<compile_context>
chip_gen: v7x
topology: tpu7x:2x2x1
jax: 0.10.2.dev20260603
libtpu: 0.0.44.dev20260713+nightly
codegen_flags: <defaults>
</compile_context>

<pallas_src>
import functools

import jax
import jax.numpy as jnp
from jax import lax
from jax.experimental import pallas as pl
from jax.experimental.pallas import tpu as pltpu
from jax.experimental.pallas import tpu_sc as plsc

NC = 2
NS = 16
NW = NC * NS
LANES = 16
CHUNK = 128


def _sc_mesh():
    return plsc.VectorSubcoreMesh(
        core_axis_name="c", subcore_axis_name="s", num_cores=NC, num_subcores=NS
    )


_SC_PARAMS = pltpu.CompilerParams(
    needs_layout_passes=False, use_tc_tiling_on_sc=False
)


def _make_histogram(ept, rows):
    nid_chunks = rows // CHUNK

    @functools.partial(
        pl.kernel,
        out_type=jax.ShapeDtypeStruct((NC, rows, LANES), jnp.float32),
        mesh=_sc_mesh(),
        compiler_params=_SC_PARAMS,
        scratch_types=[
            pltpu.VMEM((ept,), jnp.int32),
            pltpu.VMEM((rows, LANES), jnp.float32),
            pltpu.VMEM((nid_chunks, CHUNK), jnp.int32),
            pltpu.VMEM_SHARED((rows, LANES), jnp.float32),
        ],
    )
    def hist_kernel(dst_h, zero_h, idc_h, cnt_h, dstv, hist, idcv, sh):
        cid = lax.axis_index("c")
        sid = lax.axis_index("s")
        wid = cid * NS + sid
        pltpu.sync_copy(dst_h.at[wid], dstv)
        pltpu.sync_copy(zero_h, hist)
        pltpu.sync_copy(idc_h, idcv)

        @pl.when(sid == 0)
        def _():
            pltpu.sync_copy(zero_h, sh)

        ones = jnp.full((LANES,), 1.0, jnp.float32)

        def body(i, carry):
            idx = dstv[pl.ds(i * LANES, LANES)]
            row = lax.shift_right_logical(idx, 4)
            col = lax.bitwise_and(idx, 15)
            plsc.addupdate_scatter(hist, [row, col], ones)
            return carry

        lax.fori_loop(0, ept // LANES, body, 0, unroll=4)

        plsc.subcore_barrier()
        for j in range(nid_chunks):
            pltpu.sync_copy(
                hist.at[pl.ds(j * CHUNK, CHUNK)], sh.at[idcv.at[j]], add=True
            )
        plsc.subcore_barrier()

        @pl.when(sid == 0)
        def _():
            pltpu.sync_copy(sh, cnt_h.at[cid])

    return hist_kernel


_NBUF = 4
_SLAG = 2


def _make_propagate(nch, npad):
    @functools.partial(
        pl.kernel,
        out_type=jax.ShapeDtypeStruct((NC, npad, LANES), jnp.float32),
        mesh=_sc_mesh(),
        compiler_params=_SC_PARAMS,
        scratch_types=[
            pltpu.VMEM((nch, CHUNK), jnp.int32),
            pltpu.VMEM((nch, CHUNK), jnp.int32),
            pltpu.VMEM((_NBUF, CHUNK, LANES), jnp.float32),
            pltpu.SemaphoreType.DMA((_NBUF,)),
            pltpu.SemaphoreType.DMA((_NBUF,)),
            pltpu.VMEM_SHARED((npad, LANES), jnp.float32),
        ],
    )
    def prop_kernel(src_h, dst_h, hs_h, acc_h, srcv, dstv, bufs, gsem, ssem, acc_sh):
        cid = lax.axis_index("c")
        sid = lax.axis_index("s")
        wid = cid * NS + sid
        pltpu.sync_copy(src_h.at[wid], srcv)
        pltpu.sync_copy(dst_h.at[wid], dstv)

        @pl.when(sid == 0)
        def _():
            pltpu.sync_copy(hs_h, acc_sh)

        plsc.subcore_barrier()

        for c in range(min(_SLAG, nch)):
            pltpu.async_copy(hs_h.at[srcv.at[c]], bufs.at[c % _NBUF], gsem.at[c % _NBUF])

        def body(j, carry):
            b = lax.bitwise_and(j, _NBUF - 1)
            jg = j + _SLAG

            @pl.when(jg < nch)
            def _():
                bg = lax.bitwise_and(jg, _NBUF - 1)

                @pl.when(jg >= _NBUF)
                def _():
                    pltpu.make_async_copy(
                        bufs.at[bg], acc_sh.at[dstv.at[jg - _NBUF]], ssem.at[bg]
                    ).wait()

                pltpu.async_copy(hs_h.at[srcv.at[jg]], bufs.at[bg], gsem.at[bg])

            pltpu.make_async_copy(hs_h.at[srcv.at[j]], bufs.at[b], gsem.at[b]).wait()
            pltpu.async_copy(bufs.at[b], acc_sh.at[dstv.at[j]], ssem.at[b], add=True)
            return carry

        lax.fori_loop(0, nch, body, 0)
        for c in range(max(0, nch - _NBUF), nch):
            b = c % _NBUF
            pltpu.make_async_copy(
                bufs.at[b], acc_sh.at[dstv.at[c]], ssem.at[b]
            ).wait()
        plsc.subcore_barrier()

        @pl.when(sid == 0)
        def _():
            pltpu.sync_copy(acc_sh, acc_h.at[cid])

    return prop_kernel


_RB = 256


def _scale_kernel(x_ref, cnt_ref, w_ref, hs_ref, dis_ref):
    c = cnt_ref[...]
    deg = 1.0 + c[0, :] + c[1, :]
    dis = lax.rsqrt(deg)[:, None]
    h = jnp.dot(x_ref[...], w_ref[...], preferred_element_type=jnp.float32)
    hs_ref[...] = h * dis
    dis_ref[...] = dis


def _relu_kernel(acc_ref, hs_ref, dis_ref, b_ref, out_ref):
    a = acc_ref[...]
    dis = dis_ref[...]
    p = (a[0] + a[1] - hs_ref[...]) * dis + b_ref[...]
    out_ref[...] = jnp.maximum(p, 0.0) * dis


def _head_kernel(acc_ref, hs_ref, dis_ref, w_ref, b_ref, out_ref):
    a = acc_ref[...]
    p = (a[0] + a[1] - hs_ref[...]) * dis_ref[...]
    y = jnp.dot(p, w_ref[...], preferred_element_type=jnp.float32) + b_ref[...]
    m = jnp.max(y, axis=1, keepdims=True)
    e = jnp.exp(y - m)
    lse = jnp.log(jnp.sum(e, axis=1, keepdims=True))
    out_ref[...] = y - m - lse


def kernel(x, edge_index, W1, b1, W2, b2):
    n, d = x.shape
    e = edge_index.shape[1]
    h_dim = W1.shape[1]
    c_dim = W2.shape[1]
    assert h_dim == LANES

    npad = ((n + 16 * CHUNK - 1) // (16 * CHUNK)) * (16 * CHUNK)
    rows = npad // LANES
    nch = -(-e // (NW * CHUNK))
    ept = nch * CHUNK
    epad = ept * NW
    sink = npad - 1

    pad = jnp.full((epad - e,), sink, jnp.int32)
    srcp = jnp.concatenate([edge_index[0], pad]).reshape(NW, nch, CHUNK)
    dstp = jnp.concatenate([edge_index[1], pad]).reshape(NW, nch, CHUNK)
    dst_flat = dstp.reshape(NW, ept)
    xp = jnp.pad(x, ((0, npad - n), (0, 0)))
    zeros_rows = jnp.zeros((rows, LANES), jnp.float32)
    idc = jnp.arange(rows, dtype=jnp.int32).reshape(rows // CHUNK, CHUNK)

    hist = _make_histogram(ept, rows)
    prop = _make_propagate(nch, npad)

    cnt = hist(dst_flat, zeros_rows, idc)
    cnt2 = cnt.reshape(NC, npad)

    grid = (npad // _RB,)
    hs1, dis = pl.pallas_call(
        _scale_kernel,
        grid=grid,
        in_specs=[
            pl.BlockSpec((_RB, d), lambda i: (i, 0)),
            pl.BlockSpec((NC, _RB), lambda i: (0, i)),
            pl.BlockSpec((d, h_dim), lambda i: (0, 0)),
        ],
        out_specs=[
            pl.BlockSpec((_RB, h_dim), lambda i: (i, 0)),
            pl.BlockSpec((_RB, 1), lambda i: (i, 0)),
        ],
        out_shape=[
            jax.ShapeDtypeStruct((npad, h_dim), jnp.float32),
            jax.ShapeDtypeStruct((npad, 1), jnp.float32),
        ],
    )(xp, cnt2, W1)

    acc1 = prop(srcp, dstp, hs1)

    hs2 = pl.pallas_call(
        _relu_kernel,
        grid=grid,
        in_specs=[
            pl.BlockSpec((NC, _RB, h_dim), lambda i: (0, i, 0)),
            pl.BlockSpec((_RB, h_dim), lambda i: (i, 0)),
            pl.BlockSpec((_RB, 1), lambda i: (i, 0)),
            pl.BlockSpec((1, h_dim), lambda i: (0, 0)),
        ],
        out_specs=pl.BlockSpec((_RB, h_dim), lambda i: (i, 0)),
        out_shape=jax.ShapeDtypeStruct((npad, h_dim), jnp.float32),
    )(acc1, hs1, dis, b1.reshape(1, h_dim))

    acc2 = prop(srcp, dstp, hs2)

    out = pl.pallas_call(
        _head_kernel,
        grid=grid,
        in_specs=[
            pl.BlockSpec((NC, _RB, h_dim), lambda i: (0, i, 0)),
            pl.BlockSpec((_RB, h_dim), lambda i: (i, 0)),
            pl.BlockSpec((_RB, 1), lambda i: (i, 0)),
            pl.BlockSpec((h_dim, c_dim), lambda i: (0, 0)),
            pl.BlockSpec((1, c_dim), lambda i: (0, 0)),
        ],
        out_specs=pl.BlockSpec((_RB, c_dim), lambda i: (i, 0)),
        out_shape=jax.ShapeDtypeStruct((npad, c_dim), jnp.float32),
    )(acc2, hs2, dis, W2, b2.reshape(1, c_dim))

    return out[:n]

# --- scband reference (transcript-rebuilt; emitter-appended) ---
"""Pipeline reference for scband-simple-gcn-55628416418031 (READ-ONLY COPY).

The authoritative reference and input builder live on the scoring server;
editing this copy changes nothing except your own understanding.
"""

import jax, jax.numpy as jnp
import numpy as np

N = 10000
E = 320000
D = 128
H = 16
C = 40


def setup_inputs(seed: int = 0) -> dict:
    key = jax.random.key(seed)
    k1, k2, k3, k4 = jax.random.split(key, 4)
    x = jax.random.normal(k1, (N, D), dtype=jnp.float32)
    edge_index = jax.random.randint(k2, (2, E), 0, N, dtype=jnp.int32)
    W1 = jax.random.normal(k3, (D, H), dtype=jnp.float32) * (1.0 / np.sqrt(D))
    b1 = jnp.zeros((H,), dtype=jnp.float32)
    W2 = jax.random.normal(k4, (H, C), dtype=jnp.float32) * (1.0 / np.sqrt(H))
    b2 = jnp.zeros((C,), dtype=jnp.float32)
    return {"x": x, "edge_index": edge_index, "W1": W1, "b1": b1, "W2": W2, "b2": b2}


def _gcn_conv(x, src, dst, W, b, n):
    # PyG GCNConv: x' = D^{-1/2} (A + I) D^{-1/2} X W + b  (self-loops already in src/dst)
    h = x @ W
    deg = jnp.zeros((n,), dtype=x.dtype).at[dst].add(1.0)
    dis = jnp.where(deg > 0, jax.lax.rsqrt(jnp.where(deg > 0, deg, 1.0)), 0.0)
    norm = dis[src] * dis[dst]
    msg = h[src] * norm[:, None]
    out = jax.ops.segment_sum(msg, dst, num_segments=n)
    return out + b


def reference(x, edge_index, W1, b1, W2, b2):
    n = x.shape[0]
    loop = jnp.arange(n, dtype=edge_index.dtype)
    src = jnp.concatenate([edge_index[0], loop])
    dst = jnp.concatenate([edge_index[1], loop])
    h = jax.nn.relu(_gcn_conv(x, src, dst, W1, b1, n))
    # dropout p=0.5 is identity in eval mode (training=False)
    out = _gcn_conv(h, src, dst, W2, b2, n)
    return jax.nn.log_softmax(out, axis=1)

if __name__ == "__main__":
    import jax
    _d = setup_inputs()
    print(jax.jit(kernel)(*tuple(_d.values())))

</pallas_src>

<mosaic_0001>
#map = affine_map<(d0, d1) -> (0, 0, 0)>
#map1 = affine_map<(d0, d1) -> (0, 0)>
module attributes {stable_mosaic.version = 14 : i64} {
  func.func @prop_kernel(%arg0: i32, %arg1: i32, %arg2: memref<32x79x128xi32, #tpu.memory_space<hbm>>, %arg3: memref<32x79x128xi32, #tpu.memory_space<hbm>>, %arg4: memref<10240x16xf32, #tpu.memory_space<hbm>>, %arg5: memref<2x10240x16xf32, #tpu.memory_space<hbm>>, %arg6: memref<79x128xi32, #tpu.memory_space<vmem>>, %arg7: memref<79x128xi32, #tpu.memory_space<vmem>>, %arg8: memref<4x128x16xf32, #tpu.memory_space<vmem>>, %arg9: memref<4x!tpu.dma_semaphore, #tpu.memory_space<semaphore_mem>>, %arg10: memref<4x!tpu.dma_semaphore, #tpu.memory_space<semaphore_mem>>, %arg11: memref<10240x16xf32, #tpu.memory_space<vmem_shared>>) attributes {dimension_semantics = [#tpu.dimension_semantics<core_parallel>, #tpu.dimension_semantics<subcore_parallel>], iteration_bounds = array<i64: 2, 16>, scalar_prefetch = 0 : i64, scratch_operands = 6 : i64, tpu.core_type = #tpu.core_type<sc_vector_subcore>, window_params = [{transform_indices = #map}, {transform_indices = #map}, {transform_indices = #map1}, {transform_indices = #map}]} {
    %mul3A = arith.constant 16 : i32
    %mul3A_0 = arith.muli %arg0, %mul3A : i32
    %add3A = arith.addi %mul3A_0, %arg1 : i32
    "tpu.region"() ({
      %run_scoped3A = tpu.sem_alloc : memref<!tpu.dma_semaphore, #tpu.memory_space<semaphore_mem>>
      %dma_start3A_102 = arith.constant 0 : i32
      %dma_start3A_103 = arith.constant 0 : i32
      %dma_start3A_104 = tpu.memref_slice %arg2[%add3A, %dma_start3A_102, %dma_start3A_103] : memref<32x79x128xi32, #tpu.memory_space<hbm>> -> memref<1x79x128xi32, #tpu.memory_space<hbm>>
      %dma_start3A_105 = tpu.memref_squeeze %dma_start3A_104 : memref<1x79x128xi32, #tpu.memory_space<hbm>> -> memref<79x128xi32, #tpu.memory_space<hbm>>
      %dma_start3A_106 = arith.constant 0 : i32
      %dma_start3A_107 = arith.constant 0 : i32
      %dma_start3A_108 = tpu.memref_slice %arg2[%add3A, %dma_start3A_106, %dma_start3A_107] : memref<32x79x128xi32, #tpu.memory_space<hbm>> -> memref<1x79x128xi32, #tpu.memory_space<hbm>>
      %dma_start3A_109 = tpu.memref_squeeze %dma_start3A_108 : memref<1x79x128xi32, #tpu.memory_space<hbm>> -> memref<79x128xi32, #tpu.memory_space<hbm>>
      tpu.enqueue_dma source(%dma_start3A_109 : memref<79x128xi32, #tpu.memory_space<hbm>>) target(%arg6 : memref<79x128xi32, #tpu.memory_space<vmem>>) target_semaphore(%run_scoped3A : memref<!tpu.dma_semaphore, #tpu.memory_space<semaphore_mem>>)
      %dma_wait3A_110 = arith.constant 0 : i32
      %dma_wait3A_111 = arith.constant 0 : i32
      %dma_wait3A_112 = tpu.memref_slice %arg2[%add3A, %dma_wait3A_110, %dma_wait3A_111] : memref<32x79x128xi32, #tpu.memory_space<hbm>> -> memref<1x79x128xi32, #tpu.memory_space<hbm>>
      %dma_wait3A_113 = tpu.memref_squeeze %dma_wait3A_112 : memref<1x79x128xi32, #tpu.memory_space<hbm>> -> memref<79x128xi32, #tpu.memory_space<hbm>>
      %dma_wait3A_114 = arith.constant 0 : i32
      %dma_wait3A_115 = arith.constant 0 : i32
      %dma_wait3A_116 = tpu.memref_slice %arg2[%add3A, %dma_wait3A_114, %dma_wait3A_115] : memref<32x79x128xi32, #tpu.memory_space<hbm>> -> memref<1x79x128xi32, #tpu.memory_space<hbm>>
      %dma_wait3A_117 = tpu.memref_squeeze %dma_wait3A_116 : memref<1x79x128xi32, #tpu.memory_space<hbm>> -> memref<79x128xi32, #tpu.memory_space<hbm>>
      tpu.wait_dma2 semaphore(%run_scoped3A : memref<!tpu.dma_semaphore, #tpu.memory_space<semaphore_mem>>) src(%dma_wait3A_117 : memref<79x128xi32, #tpu.memory_space<hbm>>) dst(%arg6 : memref<79x128xi32, #tpu.memory_space<vmem>>)
      tpu.yield
    }) : () -> ()
    "tpu.region"() ({
      %run_scoped3A = tpu.sem_alloc : memref<!tpu.dma_semaphore, #tpu.memory_space<semaphore_mem>>
      %dma_start3A_102 = arith.constant 0 : i32
      %dma_start3A_103 = arith.constant 0 : i32
      %dma_start3A_104 = tpu.memref_slice %arg3[%add3A, %dma_start3A_102, %dma_start3A_103] : memref<32x79x128xi32, #tpu.memory_space<hbm>> -> memref<1x79x128xi32, #tpu.memory_space<hbm>>
      %dma_start3A_105 = tpu.memref_squeeze %dma_start3A_104 : memref<1x79x128xi32, #tpu.memory_space<hbm>> -> memref<79x128xi32, #tpu.memory_space<hbm>>
      %dma_start3A_106 = arith.constant 0 : i32
      %dma_start3A_107 = arith.constant 0 : i32
      %dma_start3A_108 = tpu.memref_slice %arg3[%add3A, %dma_start3A_106, %dma_start3A_107] : memref<32x79x128xi32, #tpu.memory_space<hbm>> -> memref<1x79x128xi32, #tpu.memory_space<hbm>>
      %dma_start3A_109 = tpu.memref_squeeze %dma_start3A_108 : memref<1x79x128xi32, #tpu.memory_space<hbm>> -> memref<79x128xi32, #tpu.memory_space<hbm>>
      tpu.enqueue_dma source(%dma_start3A_109 : memref<79x128xi32, #tpu.memory_space<hbm>>) target(%arg7 : memref<79x128xi32, #tpu.memory_space<vmem>>) target_semaphore(%run_scoped3A : memref<!tpu.dma_semaphore, #tpu.memory_space<semaphore_mem>>)
      %dma_wait3A_110 = arith.constant 0 : i32
      %dma_wait3A_111 = arith.constant 0 : i32
      %dma_wait3A_112 = tpu.memref_slice %arg3[%add3A, %dma_wait3A_110, %dma_wait3A_111] : memref<32x79x128xi32, #tpu.memory_space<hbm>> -> memref<1x79x128xi32, #tpu.memory_space<hbm>>
      %dma_wait3A_113 = tpu.memref_squeeze %dma_wait3A_112 : memref<1x79x128xi32, #tpu.memory_space<hbm>> -> memref<79x128xi32, #tpu.memory_space<hbm>>
      %dma_wait3A_114 = arith.constant 0 : i32
      %dma_wait3A_115 = arith.constant 0 : i32
      %dma_wait3A_116 = tpu.memref_slice %arg3[%add3A, %dma_wait3A_114, %dma_wait3A_115] : memref<32x79x128xi32, #tpu.memory_space<hbm>> -> memref<1x79x128xi32, #tpu.memory_space<hbm>>
      %dma_wait3A_117 = tpu.memref_squeeze %dma_wait3A_116 : memref<1x79x128xi32, #tpu.memory_space<hbm>> -> memref<79x128xi32, #tpu.memory_space<hbm>>
      tpu.wait_dma2 semaphore(%run_scoped3A : memref<!tpu.dma_semaphore, #tpu.memory_space<semaphore_mem>>) src(%dma_wait3A_117 : memref<79x128xi32, #tpu.memory_space<hbm>>) dst(%arg7 : memref<79x128xi32, #tpu.memory_space<vmem>>)
      tpu.yield
    }) : () -> ()
    %eq3A = arith.constant 0 : i32
    %eq3A_1 = arith.cmpi eq, %arg1, %eq3A : i32
    %convert_element_type3A = arith.extui %eq3A_1 : i1 to i32
    %cond3A = arith.constant 0 : i32
    %cond3A_2 = arith.cmpi ne, %convert_element_type3A, %cond3A : i32
    scf.if %cond3A_2 {
      "tpu.region"() ({
        %run_scoped3A = tpu.sem_alloc : memref<!tpu.dma_semaphore, #tpu.memory_space<semaphore_mem>>
        tpu.enqueue_dma source(%arg4 : memref<10240x16xf32, #tpu.memory_space<hbm>>) target(%arg11 : memref<10240x16xf32, #tpu.memory_space<vmem_shared>>) target_semaphore(%run_scoped3A : memref<!tpu.dma_semaphore, #tpu.memory_space<semaphore_mem>>)
        tpu.wait_dma2 semaphore(%run_scoped3A : memref<!tpu.dma_semaphore, #tpu.memory_space<semaphore_mem>>) src(%arg4 : memref<10240x16xf32, #tpu.memory_space<hbm>>) dst(%arg11 : memref<10240x16xf32, #tpu.memory_space<vmem_shared>>)
        tpu.yield
      }) : () -> ()
    } else {
    }
    %barrier3A = arith.constant 0 : index
    tpu.barrier barrier_id(%barrier3A)
    %dma_start3A = arith.constant 0 : i32
    %dma_start3A_3 = arith.constant 0 : i32
    %dma_start3A_4 = arith.constant 0 : i32
    %dma_start3A_5 = arith.constant 0 : i32
    %dma_start3A_6 = arith.constant 0 : i32
    %dma_start3A_7 = tpu.memref_slice %arg8[%dma_start3A_3, %dma_start3A_5, %dma_start3A_6] : memref<4x128x16xf32, #tpu.memory_space<vmem>> -> memref<1x128x16xf32, #tpu.memory_space<vmem>>
    %dma_start3A_8 = tpu.memref_squeeze %dma_start3A_7 : memref<1x128x16xf32, #tpu.memory_space<vmem>> -> memref<128x16xf32, #tpu.memory_space<vmem>>
    %dma_start3A_9 = arith.constant 0 : i32
    %dma_start3A_10 = tpu.memref_slice %arg6[%dma_start3A, %dma_start3A_9] : memref<79x128xi32, #tpu.memory_space<vmem>> -> memref<1x128xi32, #tpu.memory_space<vmem>>
    %dma_start3A_11 = tpu.memref_squeeze %dma_start3A_10 : memref<1x128xi32, #tpu.memory_space<vmem>> -> memref<128xi32, #tpu.memory_space<vmem>>
    %dma_start3A_12 = arith.constant 0 : i32
    %dma_start3A_13 = arith.constant 0 : i32
    %dma_start3A_14 = tpu.memref_slice %arg4[%dma_start3A_12, %dma_start3A_13] : memref<10240x16xf32, #tpu.memory_space<hbm>> -> memref<10240x16xf32, #tpu.memory_space<hbm>>
    %dma_start3A_15 = tpu.memref_slice %arg9[%dma_start3A_4] : memref<4x!tpu.dma_semaphore, #tpu.memory_space<semaphore_mem>> -> memref<1x!tpu.dma_semaphore, #tpu.memory_space<semaphore_mem>>
    %dma_start3A_16 = tpu.memref_squeeze %dma_start3A_15 : memref<1x!tpu.dma_semaphore, #tpu.memory_space<semaphore_mem>> -> memref<!tpu.dma_semaphore, #tpu.memory_space<semaphore_mem>>
    tpu.enqueue_indirect_dma source(%dma_start3A_14 : memref<10240x16xf32, #tpu.memory_space<hbm>>) target(%dma_start3A_8 : memref<128x16xf32, #tpu.memory_space<vmem>>) offsets(%dma_start3A_11 : memref<128xi32, #tpu.memory_space<vmem>>) semaphore(%dma_start3A_16 : memref<!tpu.dma_semaphore, #tpu.memory_space<semaphore_mem>>)
    %dma_start3A_17 = arith.constant 1 : i32
    %dma_start3A_18 = arith.constant 1 : i32
    %dma_start3A_19 = arith.constant 1 : i32
    %dma_start3A_20 = arith.constant 0 : i32
    %dma_start3A_21 = arith.constant 0 : i32
    %dma_start3A_22 = tpu.memref_slice %arg8[%dma_start3A_18, %dma_start3A_20, %dma_start3A_21] : memref<4x128x16xf32, #tpu.memory_space<vmem>> -> memref<1x128x16xf32, #tpu.memory_space<vmem>>
    %dma_start3A_23 = tpu.memref_squeeze %dma_start3A_22 : memref<1x128x16xf32, #tpu.memory_space<vmem>> -> memref<128x16xf32, #tpu.memory_space<vmem>>
    %dma_start3A_24 = arith.constant 0 : i32
    %dma_start3A_25 = tpu.memref_slice %arg6[%dma_start3A_17, %dma_start3A_24] : memref<79x128xi32, #tpu.memory_space<vmem>> -> memref<1x128xi32, #tpu.memory_space<vmem>>
    %dma_start3A_26 = tpu.memref_squeeze %dma_start3A_25 : memref<1x128xi32, #tpu.memory_space<vmem>> -> memref<128xi32, #tpu.memory_space<vmem>>
    %dma_start3A_27 = arith.constant 0 : i32
    %dma_start3A_28 = arith.constant 0 : i32
    %dma_start3A_29 = tpu.memref_slice %arg4[%dma_start3A_27, %dma_start3A_28] : memref<10240x16xf32, #tpu.memory_space<hbm>> -> memref<10240x16xf32, #tpu.memory_space<hbm>>
    %dma_start3A_30 = tpu.memref_slice %arg9[%dma_start3A_19] : memref<4x!tpu.dma_semaphore, #tpu.memory_space<semaphore_mem>> -> memref<1x!tpu.dma_semaphore, #tpu.memory_space<semaphore_mem>>
    %dma_start3A_31 = tpu.memref_squeeze %dma_start3A_30 : memref<1x!tpu.dma_semaphore, #tpu.memory_space<semaphore_mem>> -> memref<!tpu.dma_semaphore, #tpu.memory_space<semaphore_mem>>
    tpu.enqueue_indirect_dma source(%dma_start3A_29 : memref<10240x16xf32, #tpu.memory_space<hbm>>) target(%dma_start3A_23 : memref<128x16xf32, #tpu.memory_space<vmem>>) offsets(%dma_start3A_26 : memref<128xi32, #tpu.memory_space<vmem>>) semaphore(%dma_start3A_31 : memref<!tpu.dma_semaphore, #tpu.memory_space<semaphore_mem>>)
    %scan3A = arith.constant 0 : i32
    %scan3A_32 = arith.constant 0 : i32
    %scan3A_33 = arith.constant 79 : i32
    %scan3A_34 = arith.addi %scan3A_32, %scan3A_33 : i32
    %scan3A_35 = arith.constant 1 : i32
    scf.for %scan3A_102 = %scan3A_32 to %scan3A_34 step %scan3A_35  : i32 {
      %and3A = arith.constant 3 : i32
      %and3A_103 = arith.andi %scan3A_102, %and3A : i32
      %add3A_104 = arith.constant 2 : i32
      %add3A_105 = arith.addi %scan3A_102, %add3A_104 : i32
      %lt3A = arith.constant 79 : i32
      %lt3A_106 = arith.cmpi slt, %add3A_105, %lt3A : i32
      %convert_element_type3A_107 = arith.extui %lt3A_106 : i1 to i32
      %cond3A_108 = arith.constant 0 : i32
      %cond3A_109 = arith.cmpi ne, %convert_element_type3A_107, %cond3A_108 : i32
      scf.if %cond3A_109 {
        %and3A_134 = arith.constant 3 : i32
        %and3A_135 = arith.andi %add3A_105, %and3A_134 : i32
        %ge3A = arith.constant 4 : i32
        %ge3A_136 = arith.cmpi sge, %add3A_105, %ge3A : i32
        %convert_element_type3A_137 = arith.extui %ge3A_136 : i1 to i32
        %cond3A_138 = arith.constant 0 : i32
        %cond3A_139 = arith.cmpi ne, %convert_element_type3A_137, %cond3A_138 : i32
        scf.if %cond3A_139 {
          %sub3A = arith.constant 4 : i32
          %sub3A_152 = arith.subi %add3A_105, %sub3A : i32
          %dma_wait3A_153 = arith.constant 0 : i32
          %dma_wait3A_154 = arith.constant 0 : i32
          %dma_wait3A_155 = tpu.memref_slice %arg8[%and3A_135, %dma_wait3A_153, %dma_wait3A_154] : memref<4x128x16xf32, #tpu.memory_space<vmem>> -> memref<1x128x16xf32, #tpu.memory_space<vmem>>
          %dma_wait3A_156 = tpu.memref_squeeze %dma_wait3A_155 : memref<1x128x16xf32, #tpu.memory_space<vmem>> -> memref<128x16xf32, #tpu.memory_space<vmem>>
          %dma_wait3A_157 = arith.constant 0 : i32
          %dma_wait3A_158 = tpu.memref_slice %arg7[%sub3A_152, %dma_wait3A_157] : memref<79x128xi32, #tpu.memory_space<vmem>> -> memref<1x128xi32, #tpu.memory_space<vmem>>
          %dma_wait3A_159 = tpu.memref_squeeze %dma_wait3A_158 : memref<1x128xi32, #tpu.memory_space<vmem>> -> memref<128xi32, #tpu.memory_space<vmem>>
          %dma_wait3A_160 = arith.constant 0 : i32
          %dma_wait3A_161 = arith.constant 0 : i32
          %dma_wait3A_162 = tpu.memref_slice %arg11[%dma_wait3A_160, %dma_wait3A_161] : memref<10240x16xf32, #tpu.memory_space<vmem_shared>> -> memref<10240x16xf32, #tpu.memory_space<vmem_shared>>
          %dma_wait3A_163 = tpu.memref_slice %arg10[%and3A_135] : memref<4x!tpu.dma_semaphore, #tpu.memory_space<semaphore_mem>> -> memref<1x!tpu.dma_semaphore, #tpu.memory_space<semaphore_mem>>
          %dma_wait3A_164 = tpu.memref_squeeze %dma_wait3A_163 : memref<1x!tpu.dma_semaphore, #tpu.memory_space<semaphore_mem>> -> memref<!tpu.dma_semaphore, #tpu.memory_space<semaphore_mem>>
          tpu.wait_indirect_dma semaphore(%dma_wait3A_164 : memref<!tpu.dma_semaphore, #tpu.memory_space<semaphore_mem>>) src(%dma_wait3A_156 : memref<128x16xf32, #tpu.memory_space<vmem>>) dst(%dma_wait3A_162 : memref<10240x16xf32, #tpu.memory_space<vmem_shared>>)
        } else {
        }
        %dma_start3A_140 = arith.constant 0 : i32
        %dma_start3A_141 = arith.constant 0 : i32
        %dma_start3A_142 = tpu.memref_slice %arg8[%and3A_135, %dma_start3A_140, %dma_start3A_141] : memref<4x128x16xf32, #tpu.memory_space<vmem>> -> memref<1x128x16xf32, #tpu.memory_space<vmem>>
        %dma_start3A_143 = tpu.memref_squeeze %dma_start3A_142 : memref<1x128x16xf32, #tpu.memory_space<vmem>> -> memref<128x16xf32, #tpu.memory_space<vmem>>
        %dma_start3A_144 = arith.constant 0 : i32
        %dma_start3A_145 = tpu.memref_slice %arg6[%add3A_105, %dma_start3A_144] : memref<79x128xi32, #tpu.memory_space<vmem>> -> memref<1x128xi32, #tpu.memory_space<vmem>>
        %dma_start3A_146 = tpu.memref_squeeze %dma_start3A_145 : memref<1x128xi32, #tpu.memory_space<vmem>> -> memref<128xi32, #tpu.memory_space<vmem>>
        %dma_start3A_147 = arith.constant 0 : i32
        %dma_start3A_148 = arith.constant 0 : i32
        %dma_start3A_149 = tpu.memref_slice %arg4[%dma_start3A_147, %dma_start3A_148] : memref<10240x16xf32, #tpu.memory_space<hbm>> -> memref<10240x16xf32, #tpu.memory_space<hbm>>
        %dma_start3A_150 = tpu.memref_slice %arg9[%and3A_135] : memref<4x!tpu.dma_semaphore, #tpu.memory_space<semaphore_mem>> -> memref<1x!tpu.dma_semaphore, #tpu.memory_space<semaphore_mem>>
        %dma_start3A_151 = tpu.memref_squeeze %dma_start3A_150 : memref<1x!tpu.dma_semaphore, #tpu.memory_space<semaphore_mem>> -> memref<!tpu.dma_semaphore, #tpu.memory_space<semaphore_mem>>
        tpu.enqueue_indirect_dma source(%dma_start3A_149 : memref<10240x16xf32, #tpu.memory_space<hbm>>) target(%dma_start3A_143 : memref<128x16xf32, #tpu.memory_space<vmem>>) offsets(%dma_start3A_146 : memref<128xi32, #tpu.memory_space<vmem>>) semaphore(%dma_start3A_151 : memref<!tpu.dma_semaphore, #tpu.memory_space<semaphore_mem>>)
      } else {
      }
      %dma_wait3A_110 = arith.constant 0 : i32
      %dma_wait3A_111 = arith.constant 0 : i32
      %dma_wait3A_112 = tpu.memref_slice %arg8[%and3A_103, %dma_wait3A_110, %dma_wait3A_111] : memref<4x128x16xf32, #tpu.memory_space<vmem>> -> memref<1x128x16xf32, #tpu.memory_space<vmem>>
      %dma_wait3A_113 = tpu.memref_squeeze %dma_wait3A_112 : memref<1x128x16xf32, #tpu.memory_space<vmem>> -> memref<128x16xf32, #tpu.memory_space<vmem>>
      %dma_wait3A_114 = arith.constant 0 : i32
      %dma_wait3A_115 = tpu.memref_slice %arg6[%scan3A_102, %dma_wait3A_114] : memref<79x128xi32, #tpu.memory_space<vmem>> -> memref<1x128xi32, #tpu.memory_space<vmem>>
      %dma_wait3A_116 = tpu.memref_squeeze %dma_wait3A_115 : memref<1x128xi32, #tpu.memory_space<vmem>> -> memref<128xi32, #tpu.memory_space<vmem>>
      %dma_wait3A_117 = arith.constant 0 : i32
      %dma_wait3A_118 = arith.constant 0 : i32
      %dma_wait3A_119 = tpu.memref_slice %arg4[%dma_wait3A_117, %dma_wait3A_118] : memref<10240x16xf32, #tpu.memory_space<hbm>> -> memref<10240x16xf32, #tpu.memory_space<hbm>>
      %dma_wait3A_120 = tpu.memref_slice %arg9[%and3A_103] : memref<4x!tpu.dma_semaphore, #tpu.memory_space<semaphore_mem>> -> memref<1x!tpu.dma_semaphore, #tpu.memory_space<semaphore_mem>>
      %dma_wait3A_121 = tpu.memref_squeeze %dma_wait3A_120 : memref<1x!tpu.dma_semaphore, #tpu.memory_space<semaphore_mem>> -> memref<!tpu.dma_semaphore, #tpu.memory_space<semaphore_mem>>
      tpu.wait_indirect_dma semaphore(%dma_wait3A_121 : memref<!tpu.dma_semaphore, #tpu.memory_space<semaphore_mem>>) src(%dma_wait3A_119 : memref<10240x16xf32, #tpu.memory_space<hbm>>) dst(%dma_wait3A_113 : memref<128x16xf32, #tpu.memory_space<vmem>>)
      %dma_start3A_122 = arith.constant 0 : i32
      %dma_start3A_123 = arith.constant 0 : i32
      %dma_start3A_124 = tpu.memref_slice %arg8[%and3A_103, %dma_start3A_122, %dma_start3A_123] : memref<4x128x16xf32, #tpu.memory_space<vmem>> -> memref<1x128x16xf32, #tpu.memory_space<vmem>>
      %dma_start3A_125 = tpu.memref_squeeze %dma_start3A_124 : memref<1x128x16xf32, #tpu.memory_space<vmem>> -> memref<128x16xf32, #tpu.memory_space<vmem>>
      %dma_start3A_126 = arith.constant 0 : i32
      %dma_start3A_127 = tpu.memref_slice %arg7[%scan3A_102, %dma_start3A_126] : memref<79x128xi32, #tpu.memory_space<vmem>> -> memref<1x128xi32, #tpu.memory_space<vmem>>
      %dma_start3A_128 = tpu.memref_squeeze %dma_start3A_127 : memref<1x128xi32, #tpu.memory_space<vmem>> -> memref<128xi32, #tpu.memory_space<vmem>>
      %dma_start3A_129 = arith.constant 0 : i32
      %dma_start3A_130 = arith.constant 0 : i32
      %dma_start3A_131 = tpu.memref_slice %arg11[%dma_start3A_129, %dma_start3A_130] : memref<10240x16xf32, #tpu.memory_space<vmem_shared>> -> memref<10240x16xf32, #tpu.memory_space<vmem_shared>>
      %dma_start3A_132 = tpu.memref_slice %arg10[%and3A_103] : memref<4x!tpu.dma_semaphore, #tpu.memory_space<semaphore_mem>> -> memref<1x!tpu.dma_semaphore, #tpu.memory_space<semaphore_mem>>
      %dma_start3A_133 = tpu.memref_squeeze %dma_start3A_132 : memref<1x!tpu.dma_semaphore, #tpu.memory_space<semaphore_mem>> -> memref<!tpu.dma_semaphore, #tpu.memory_space<semaphore_mem>>
      tpu.enqueue_indirect_dma source(%dma_start3A_125 : memref<128x16xf32, #tpu.memory_space<vmem>>) target(%dma_start3A_131 : memref<10240x16xf32, #tpu.memory_space<vmem_shared>>) offsets(%dma_start3A_128 : memref<128xi32, #tpu.memory_space<vmem>>) semaphore(%dma_start3A_133 : memref<!tpu.dma_semaphore, #tpu.memory_space<semaphore_mem>>) {add = true}
    }
    %scan3A_36 = arith.constant 79 : i32
    %dma_wait3A = arith.constant 3 : i32
    %dma_wait3A_37 = arith.constant 75 : i32
    %dma_wait3A_38 = arith.constant 3 : i32
    %dma_wait3A_39 = arith.constant 0 : i32
    %dma_wait3A_40 = arith.constant 0 : i32
    %dma_wait3A_41 = tpu.memref_slice %arg8[%dma_wait3A, %dma_wait3A_39, %dma_wait3A_40] : memref<4x128x16xf32, #tpu.memory_space<vmem>> -> memref<1x128x16xf32, #tpu.memory_space<vmem>>
    %dma_wait3A_42 = tpu.memref_squeeze %dma_wait3A_41 : memref<1x128x16xf32, #tpu.memory_space<vmem>> -> memref<128x16xf32, #tpu.memory_space<vmem>>
    %dma_wait3A_43 = arith.constant 0 : i32
    %dma_wait3A_44 = tpu.memref_slice %arg7[%dma_wait3A_37, %dma_wait3A_43] : memref<79x128xi32, #tpu.memory_space<vmem>> -> memref<1x128xi32, #tpu.memory_space<vmem>>
    %dma_wait3A_45 = tpu.memref_squeeze %dma_wait3A_44 : memref<1x128xi32, #tpu.memory_space<vmem>> -> memref<128xi32, #tpu.memory_space<vmem>>
    %dma_wait3A_46 = arith.constant 0 : i32
    %dma_wait3A_47 = arith.constant 0 : i32
    %dma_wait3A_48 = tpu.memref_slice %arg11[%dma_wait3A_46, %dma_wait3A_47] : memref<10240x16xf32, #tpu.memory_space<vmem_shared>> -> memref<10240x16xf32, #tpu.memory_space<vmem_shared>>
    %dma_wait3A_49 = tpu.memref_slice %arg10[%dma_wait3A_38] : memref<4x!tpu.dma_semaphore, #tpu.memory_space<semaphore_mem>> -> memref<1x!tpu.dma_semaphore, #tpu.memory_space<semaphore_mem>>
    %dma_wait3A_50 = tpu.memref_squeeze %dma_wait3A_49 : memref<1x!tpu.dma_semaphore, #tpu.memory_space<semaphore_mem>> -> memref<!tpu.dma_semaphore, #tpu.memory_space<semaphore_mem>>
    tpu.wait_indirect_dma semaphore(%dma_wait3A_50 : memref<!tpu.dma_semaphore, #tpu.memory_space<semaphore_mem>>) src(%dma_wait3A_42 : memref<128x16xf32, #tpu.memory_space<vmem>>) dst(%dma_wait3A_48 : memref<10240x16xf32, #tpu.memory_space<vmem_shared>>)
    %dma_wait3A_51 = arith.constant 0 : i32
    %dma_wait3A_52 = arith.constant 76 : i32
    %dma_wait3A_53 = arith.constant 0 : i32
    %dma_wait3A_54 = arith.constant 0 : i32
    %dma_wait3A_55 = arith.constant 0 : i32
    %dma_wait3A_56 = tpu.memref_slice %arg8[%dma_wait3A_51, %dma_wait3A_54, %dma_wait3A_55] : memref<4x128x16xf32, #tpu.memory_space<vmem>> -> memref<1x128x16xf32, #tpu.memory_space<vmem>>
    %dma_wait3A_57 = tpu.memref_squeeze %dma_wait3A_56 : memref<1x128x16xf32, #tpu.memory_space<vmem>> -> memref<128x16xf32, #tpu.memory_space<vmem>>
    %dma_wait3A_58 = arith.constant 0 : i32
    %dma_wait3A_59 = tpu.memref_slice %arg7[%dma_wait3A_52, %dma_wait3A_58] : memref<79x128xi32, #tpu.memory_space<vmem>> -> memref<1x128xi32, #tpu.memory_space<vmem>>
    %dma_wait3A_60 = tpu.memref_squeeze %dma_wait3A_59 : memref<1x128xi32, #tpu.memory_space<vmem>> -> memref<128xi32, #tpu.memory_space<vmem>>
    %dma_wait3A_61 = arith.constant 0 : i32
    %dma_wait3A_62 = arith.constant 0 : i32
    %dma_wait3A_63 = tpu.memref_slice %arg11[%dma_wait3A_61, %dma_wait3A_62] : memref<10240x16xf32, #tpu.memory_space<vmem_shared>> -> memref<10240x16xf32, #tpu.memory_space<vmem_shared>>
    %dma_wait3A_64 = tpu.memref_slice %arg10[%dma_wait3A_53] : memref<4x!tpu.dma_semaphore, #tpu.memory_space<semaphore_mem>> -> memref<1x!tpu.dma_semaphore, #tpu.memory_space<semaphore_mem>>
    %dma_wait3A_65 = tpu.memref_squeeze %dma_wait3A_64 : memref<1x!tpu.dma_semaphore, #tpu.memory_space<semaphore_mem>> -> memref<!tpu.dma_semaphore, #tpu.memory_space<semaphore_mem>>
    tpu.wait_indirect_dma semaphore(%dma_wait3A_65 : memref<!tpu.dma_semaphore, #tpu.memory_space<semaphore_mem>>) src(%dma_wait3A_57 : memref<128x16xf32, #tpu.memory_space<vmem>>) dst(%dma_wait3A_63 : memref<10240x16xf32, #tpu.memory_space<vmem_shared>>)
    %dma_wait3A_66 = arith.constant 1 : i32
    %dma_wait3A_67 = arith.constant 77 : i32
    %dma_wait3A_68 = arith.constant 1 : i32
    %dma_wait3A_69 = arith.constant 0 : i32
    %dma_wait3A_70 = arith.constant 0 : i32
    %dma_wait3A_71 = tpu.memref_slice %arg8[%dma_wait3A_66, %dma_wait3A_69, %dma_wait3A_70] : memref<4x128x16xf32, #tpu.memory_space<vmem>> -> memref<1x128x16xf32, #tpu.memory_space<vmem>>
    %dma_wait3A_72 = tpu.memref_squeeze %dma_wait3A_71 : memref<1x128x16xf32, #tpu.memory_space<vmem>> -> memref<128x16xf32, #tpu.memory_space<vmem>>
    %dma_wait3A_73 = arith.constant 0 : i32
    %dma_wait3A_74 = tpu.memref_slice %arg7[%dma_wait3A_67, %dma_wait3A_73] : memref<79x128xi32, #tpu.memory_space<vmem>> -> memref<1x128xi32, #tpu.memory_space<vmem>>
    %dma_wait3A_75 = tpu.memref_squeeze %dma_wait3A_74 : memref<1x128xi32, #tpu.memory_space<vmem>> -> memref<128xi32, #tpu.memory_space<vmem>>
    %dma_wait3A_76 = arith.constant 0 : i32
    %dma_wait3A_77 = arith.constant 0 : i32
    %dma_wait3A_78 = tpu.memref_slice %arg11[%dma_wait3A_76, %dma_wait3A_77] : memref<10240x16xf32, #tpu.memory_space<vmem_shared>> -> memref<10240x16xf32, #tpu.memory_space<vmem_shared>>
    %dma_wait3A_79 = tpu.memref_slice %arg10[%dma_wait3A_68] : memref<4x!tpu.dma_semaphore, #tpu.memory_space<semaphore_mem>> -> memref<1x!tpu.dma_semaphore, #tpu.memory_space<semaphore_mem>>
    %dma_wait3A_80 = tpu.memref_squeeze %dma_wait3A_79 : memref<1x!tpu.dma_semaphore, #tpu.memory_space<semaphore_mem>> -> memref<!tpu.dma_semaphore, #tpu.memory_space<semaphore_mem>>
    tpu.wait_indirect_dma semaphore(%dma_wait3A_80 : memref<!tpu.dma_semaphore, #tpu.memory_space<semaphore_mem>>) src(%dma_wait3A_72 : memref<128x16xf32, #tpu.memory_space<vmem>>) dst(%dma_wait3A_78 : memref<10240x16xf32, #tpu.memory_space<vmem_shared>>)
    %dma_wait3A_81 = arith.constant 2 : i32
    %dma_wait3A_82 = arith.constant 78 : i32
    %dma_wait3A_83 = arith.constant 2 : i32
    %dma_wait3A_84 = arith.constant 0 : i32
    %dma_wait3A_85 = arith.constant 0 : i32
    %dma_wait3A_86 = tpu.memref_slice %arg8[%dma_wait3A_81, %dma_wait3A_84, %dma_wait3A_85] : memref<4x128x16xf32, #tpu.memory_space<vmem>> -> memref<1x128x16xf32, #tpu.memory_space<vmem>>
    %dma_wait3A_87 = tpu.memref_squeeze %dma_wait3A_86 : memref<1x128x16xf32, #tpu.memory_space<vmem>> -> memref<128x16xf32, #tpu.memory_space<vmem>>
    %dma_wait3A_88 = arith.constant 0 : i32
    %dma_wait3A_89 = tpu.memref_slice %arg7[%dma_wait3A_82, %dma_wait3A_88] : memref<79x128xi32, #tpu.memory_space<vmem>> -> memref<1x128xi32, #tpu.memory_space<vmem>>
    %dma_wait3A_90 = tpu.memref_squeeze %dma_wait3A_89 : memref<1x128xi32, #tpu.memory_space<vmem>> -> memref<128xi32, #tpu.memory_space<vmem>>
    %dma_wait3A_91 = arith.constant 0 : i32
    %dma_wait3A_92 = arith.constant 0 : i32
    %dma_wait3A_93 = tpu.memref_slice %arg11[%dma_wait3A_91, %dma_wait3A_92] : memref<10240x16xf32, #tpu.memory_space<vmem_shared>> -> memref<10240x16xf32, #tpu.memory_space<vmem_shared>>
    %dma_wait3A_94 = tpu.memref_slice %arg10[%dma_wait3A_83] : memref<4x!tpu.dma_semaphore, #tpu.memory_space<semaphore_mem>> -> memref<1x!tpu.dma_semaphore, #tpu.memory_space<semaphore_mem>>
    %dma_wait3A_95 = tpu.memref_squeeze %dma_wait3A_94 : memref<1x!tpu.dma_semaphore, #tpu.memory_space<semaphore_mem>> -> memref<!tpu.dma_semaphore, #tpu.memory_space<semaphore_mem>>
    tpu.wait_indirect_dma semaphore(%dma_wait3A_95 : memref<!tpu.dma_semaphore, #tpu.memory_space<semaphore_mem>>) src(%dma_wait3A_87 : memref<128x16xf32, #tpu.memory_space<vmem>>) dst(%dma_wait3A_93 : memref<10240x16xf32, #tpu.memory_space<vmem_shared>>)
    %barrier3A_96 = arith.constant 0 : index
    tpu.barrier barrier_id(%barrier3A_96)
    %eq3A_97 = arith.constant 0 : i32
    %eq3A_98 = arith.cmpi eq, %arg1, %eq3A_97 : i32
    %convert_element_type3A_99 = arith.extui %eq3A_98 : i1 to i32
    %cond3A_100 = arith.constant 0 : i32
    %cond3A_101 = arith.cmpi ne, %convert_element_type3A_99, %cond3A_100 : i32
    scf.if %cond3A_101 {
      "tpu.region"() ({
        %run_scoped3A = tpu.sem_alloc : memref<!tpu.dma_semaphore, #tpu.memory_space<semaphore_mem>>
        %dma_start3A_102 = arith.constant 0 : i32
        %dma_start3A_103 = arith.constant 0 : i32
        %dma_start3A_104 = tpu.memref_slice %arg5[%arg0, %dma_start3A_102, %dma_start3A_103] : memref<2x10240x16xf32, #tpu.memory_space<hbm>> -> memref<1x10240x16xf32, #tpu.memory_space<hbm>>
        %dma_start3A_105 = tpu.memref_squeeze %dma_start3A_104 : memref<1x10240x16xf32, #tpu.memory_space<hbm>> -> memref<10240x16xf32, #tpu.memory_space<hbm>>
        tpu.enqueue_dma source(%arg11 : memref<10240x16xf32, #tpu.memory_space<vmem_shared>>) target(%dma_start3A_105 : memref<10240x16xf32, #tpu.memory_space<hbm>>) target_semaphore(%run_scoped3A : memref<!tpu.dma_semaphore, #tpu.memory_space<semaphore_mem>>)
        %dma_wait3A_106 = arith.constant 0 : i32
        %dma_wait3A_107 = arith.constant 0 : i32
        %dma_wait3A_108 = tpu.memref_slice %arg5[%arg0, %dma_wait3A_106, %dma_wait3A_107] : memref<2x10240x16xf32, #tpu.memory_space<hbm>> -> memref<1x10240x16xf32, #tpu.memory_space<hbm>>
        %dma_wait3A_109 = tpu.memref_squeeze %dma_wait3A_108 : memref<1x10240x16xf32, #tpu.memory_space<hbm>> -> memref<10240x16xf32, #tpu.memory_space<hbm>>
        tpu.wait_dma2 semaphore(%run_scoped3A : memref<!tpu.dma_semaphore, #tpu.memory_space<semaphore_mem>>) src(%arg11 : memref<10240x16xf32, #tpu.memory_space<vmem_shared>>) dst(%dma_wait3A_109 : memref<10240x16xf32, #tpu.memory_space<hbm>>)
        tpu.yield
      }) : () -> ()
    } else {
    }
    return
  }
}

#map = affine_map<(d0, d1) -> (0, 0)>
#map1 = affine_map<(d0, d1) -> (0, 0, 0)>
module attributes {stable_mosaic.version = 14 : i64} {
  func.func @hist_kernel(%arg0: i32, %arg1: i32, %arg2: memref<32x10112xi32, #tpu.memory_space<hbm>>, %arg3: memref<640x16xf32, #tpu.memory_space<hbm>>, %arg4: memref<5x128xi32, #tpu.memory_space<hbm>>, %arg5: memref<2x640x16xf32, #tpu.memory_space<hbm>>, %arg6: memref<10112xi32, #tpu.memory_space<vmem>>, %arg7: memref<640x16xf32, #tpu.memory_space<vmem>>, %arg8: memref<5x128xi32, #tpu.memory_space<vmem>>, %arg9: memref<640x16xf32, #tpu.memory_space<vmem_shared>>) attributes {dimension_semantics = [#tpu.dimension_semantics<core_parallel>, #tpu.dimension_semantics<subcore_parallel>], iteration_bounds = array<i64: 2, 16>, scalar_prefetch = 0 : i64, scratch_operands = 4 : i64, tpu.core_type = #tpu.core_type<sc_vector_subcore>, window_params = [{transform_indices = #map}, {transform_indices = #map}, {transform_indices = #map}, {transform_indices = #map1}]} {
    %mul3A = arith.constant 16 : i32
    %mul3A_0 = arith.muli %arg0, %mul3A : i32
    %add3A = arith.addi %mul3A_0, %arg1 : i32
    "tpu.region"() ({
      %run_scoped3A_19 = tpu.sem_alloc : memref<!tpu.dma_semaphore, #tpu.memory_space<semaphore_mem>>
      %dma_start3A = arith.constant 0 : i32
      %dma_start3A_20 = tpu.memref_slice %arg2[%add3A, %dma_start3A] : memref<32x10112xi32, #tpu.memory_space<hbm>> -> memref<1x10112xi32, #tpu.memory_space<hbm>>
      %dma_start3A_21 = tpu.memref_squeeze %dma_start3A_20 : memref<1x10112xi32, #tpu.memory_space<hbm>> -> memref<10112xi32, #tpu.memory_space<hbm>>
      %dma_start3A_22 = arith.constant 0 : i32
      %dma_start3A_23 = tpu.memref_slice %arg2[%add3A, %dma_start3A_22] : memref<32x10112xi32, #tpu.memory_space<hbm>> -> memref<1x10112xi32, #tpu.memory_space<hbm>>
      %dma_start3A_24 = tpu.memref_squeeze %dma_start3A_23 : memref<1x10112xi32, #tpu.memory_space<hbm>> -> memref<10112xi32, #tpu.memory_space<hbm>>
      tpu.enqueue_dma source(%dma_start3A_24 : memref<10112xi32, #tpu.memory_space<hbm>>) target(%arg6 : memref<10112xi32, #tpu.memory_space<vmem>>) target_semaphore(%run_scoped3A_19 : memref<!tpu.dma_semaphore, #tpu.memory_space<semaphore_mem>>)
      %dma_wait3A = arith.constant 0 : i32
      %dma_wait3A_25 = tpu.memref_slice %arg2[%add3A, %dma_wait3A] : memref<32x10112xi32, #tpu.memory_space<hbm>> -> memref<1x10112xi32, #tpu.memory_space<hbm>>
      %dma_wait3A_26 = tpu.memref_squeeze %dma_wait3A_25 : memref<1x10112xi32, #tpu.memory_space<hbm>> -> memref<10112xi32, #tpu.memory_space<hbm>>
      %dma_wait3A_27 = arith.constant 0 : i32
      %dma_wait3A_28 = tpu.memref_slice %arg2[%add3A, %dma_wait3A_27] : memref<32x10112xi32, #tpu.memory_space<hbm>> -> memref<1x10112xi32, #tpu.memory_space<hbm>>
      %dma_wait3A_29 = tpu.memref_squeeze %dma_wait3A_28 : memref<1x10112xi32, #tpu.memory_space<hbm>> -> memref<10112xi32, #tpu.memory_space<hbm>>
      tpu.wait_dma2 semaphore(%run_scoped3A_19 : memref<!tpu.dma_semaphore, #tpu.memory_space<semaphore_mem>>) src(%dma_wait3A_29 : memref<10112xi32, #tpu.memory_space<hbm>>) dst(%arg6 : memref<10112xi32, #tpu.memory_space<vmem>>)
      tpu.yield
    }) : () -> ()
    "tpu.region"() ({
      %run_scoped3A_19 = tpu.sem_alloc : memref<!tpu.dma_semaphore, #tpu.memory_space<semaphore_mem>>
      tpu.enqueue_dma source(%arg3 : memref<640x16xf32, #tpu.memory_space<hbm>>) target(%arg7 : memref<640x16xf32, #tpu.memory_space<vmem>>) target_semaphore(%run_scoped3A_19 : memref<!tpu.dma_semaphore, #tpu.memory_space<semaphore_mem>>)
      tpu.wait_dma2 semaphore(%run_scoped3A_19 : memref<!tpu.dma_semaphore, #tpu.memory_space<semaphore_mem>>) src(%arg3 : memref<640x16xf32, #tpu.memory_space<hbm>>) dst(%arg7 : memref<640x16xf32, #tpu.memory_space<vmem>>)
      tpu.yield
    }) : () -> ()
    "tpu.region"() ({
      %run_scoped3A_19 = tpu.sem_alloc : memref<!tpu.dma_semaphore, #tpu.memory_space<semaphore_mem>>
      tpu.enqueue_dma source(%arg4 : memref<5x128xi32, #tpu.memory_space<hbm>>) target(%arg8 : memref<5x128xi32, #tpu.memory_space<vmem>>) target_semaphore(%run_scoped3A_19 : memref<!tpu.dma_semaphore, #tpu.memory_space<semaphore_mem>>)
      tpu.wait_dma2 semaphore(%run_scoped3A_19 : memref<!tpu.dma_semaphore, #tpu.memory_space<semaphore_mem>>) src(%arg4 : memref<5x128xi32, #tpu.memory_space<hbm>>) dst(%arg8 : memref<5x128xi32, #tpu.memory_space<vmem>>)
      tpu.yield
    }) : () -> ()
    %eq3A = arith.constant 0 : i32
    %eq3A_1 = arith.cmpi eq, %arg1, %eq3A : i32
    %convert_element_type3A = arith.extui %eq3A_1 : i1 to i32
    %cond3A = arith.constant 0 : i32
    %cond3A_2 = arith.cmpi ne, %convert_element_type3A, %cond3A : i32
    scf.if %cond3A_2 {
      "tpu.region"() ({
        %run_scoped3A_19 = tpu.sem_alloc : memref<!tpu.dma_semaphore, #tpu.memory_space<semaphore_mem>>
        tpu.enqueue_dma source(%arg3 : memref<640x16xf32, #tpu.memory_space<hbm>>) target(%arg9 : memref<640x16xf32, #tpu.memory_space<vmem_shared>>) target_semaphore(%run_scoped3A_19 : memref<!tpu.dma_semaphore, #tpu.memory_space<semaphore_mem>>)
        tpu.wait_dma2 semaphore(%run_scoped3A_19 : memref<!tpu.dma_semaphore, #tpu.memory_space<semaphore_mem>>) src(%arg3 : memref<640x16xf32, #tpu.memory_space<hbm>>) dst(%arg9 : memref<640x16xf32, #tpu.memory_space<vmem_shared>>)
        tpu.yield
      }) : () -> ()
    } else {
    }
    %broadcast_in_dim3A = arith.constant 1.000000e+00 : f32
    %broadcast_in_dim3A_3 = vector.broadcast %broadcast_in_dim3A : f32 to vector<16xf32>
    %scan3A = arith.constant 0 : i32
    %scan3A_4 = arith.constant 0 : i32
    %scan3A_5 = arith.constant 632 : i32
    %scan3A_6 = arith.addi %scan3A_4, %scan3A_5 : i32
    %scan3A_7 = arith.constant 4 : i32
    scf.for %scan3A_19 = %scan3A_4 to %scan3A_6 step %scan3A_7  : i32 {
      %mul3A_20 = arith.constant 16 : i32
      %mul3A_21 = arith.muli %scan3A_19, %mul3A_20 : i32
      %get3A = arith.index_cast %mul3A_21 : i32 to index
      %get3A_22 = tpu.vector_load %arg6[%get3A] {strides = array<i32>} : memref<10112xi32, #tpu.memory_space<vmem>>, vector<16xi32>,
      %shift_right_logical3A = arith.constant 4 : i32
      %shift_right_logical3A_23 = vector.broadcast %shift_right_logical3A : i32 to vector<16xi32>
      %shift_right_logical3A_24 = arith.shrui %get3A_22, %shift_right_logical3A_23 : vector<16xi32>
      %and3A = arith.constant 15 : i32
      %and3A_25 = vector.broadcast %and3A : i32 to vector<16xi32>
      %and3A_26 = arith.andi %get3A_22, %and3A_25 : vector<16xi32>
      tpu.vector_store_idx %arg7[%shift_right_logical3A_24, %and3A_26], %broadcast_in_dim3A_3 {add = true} : memref<640x16xf32, #tpu.memory_space<vmem>>[vector<16xi32>, vector<16xi32>], vector<16xf32>,
      %scan3A_27 = arith.constant 1 : i32
      %scan3A_28 = arith.addi %scan3A_19, %scan3A_27 : i32
      %mul3A_29 = arith.constant 16 : i32
      %mul3A_30 = arith.muli %scan3A_28, %mul3A_29 : i32
      %get3A_31 = arith.index_cast %mul3A_30 : i32 to index
      %get3A_32 = tpu.vector_load %arg6[%get3A_31] {strides = array<i32>} : memref<10112xi32, #tpu.memory_space<vmem>>, vector<16xi32>,
      %shift_right_logical3A_33 = arith.constant 4 : i32
      %shift_right_logical3A_34 = vector.broadcast %shift_right_logical3A_33 : i32 to vector<16xi32>
      %shift_right_logical3A_35 = arith.shrui %get3A_32, %shift_right_logical3A_34 : vector<16xi32>
      %and3A_36 = arith.constant 15 : i32
      %and3A_37 = vector.broadcast %and3A_36 : i32 to vector<16xi32>
      %and3A_38 = arith.andi %get3A_32, %and3A_37 : vector<16xi32>
      tpu.vector_store_idx %arg7[%shift_right_logical3A_35, %and3A_38], %broadcast_in_dim3A_3 {add = true} : memref<640x16xf32, #tpu.memory_space<vmem>>[vector<16xi32>, vector<16xi32>], vector<16xf32>,
      %scan3A_39 = arith.constant 2 : i32
      %scan3A_40 = arith.addi %scan3A_19, %scan3A_39 : i32
      %mul3A_41 = arith.constant 16 : i32
      %mul3A_42 = arith.muli %scan3A_40, %mul3A_41 : i32
      %get3A_43 = arith.index_cast %mul3A_42 : i32 to index
      %get3A_44 = tpu.vector_load %arg6[%get3A_43] {strides = array<i32>} : memref<10112xi32, #tpu.memory_space<vmem>>, vector<16xi32>,
      %shift_right_logical3A_45 = arith.constant 4 : i32
      %shift_right_logical3A_46 = vector.broadcast %shift_right_logical3A_45 : i32 to vector<16xi32>
      %shift_right_logical3A_47 = arith.shrui %get3A_44, %shift_right_logical3A_46 : vector<16xi32>
      %and3A_48 = arith.constant 15 : i32
      %and3A_49 = vector.broadcast %and3A_48 : i32 to vector<16xi32>
      %and3A_50 = arith.andi %get3A_44, %and3A_49 : vector<16xi32>
      tpu.vector_store_idx %arg7[%shift_right_logical3A_47, %and3A_50], %broadcast_in_dim3A_3 {add = true} : memref<640x16xf32, #tpu.memory_space<vmem>>[vector<16xi32>, vector<16xi32>], vector<16xf32>,
      %scan3A_51 = arith.constant 3 : i32
      %scan3A_52 = arith.addi %scan3A_19, %scan3A_51 : i32
      %mul3A_53 = arith.constant 16 : i32
      %mul3A_54 = arith.muli %scan3A_52, %mul3A_53 : i32
      %get3A_55 = arith.index_cast %mul3A_54 : i32 to index
      %get3A_56 = tpu.vector_load %arg6[%get3A_55] {strides = array<i32>} : memref<10112xi32, #tpu.memory_space<vmem>>, vector<16xi32>,
      %shift_right_logical3A_57 = arith.constant 4 : i32
      %shift_right_logical3A_58 = vector.broadcast %shift_right_logical3A_57 : i32 to vector<16xi32>
      %shift_right_logical3A_59 = arith.shrui %get3A_56, %shift_right_logical3A_58 : vector<16xi32>
      %and3A_60 = arith.constant 15 : i32
      %and3A_61 = vector.broadcast %and3A_60 : i32 to vector<16xi32>
      %and3A_62 = arith.andi %get3A_56, %and3A_61 : vector<16xi32>
      tpu.vector_store_idx %arg7[%shift_right_logical3A_59, %and3A_62], %broadcast_in_dim3A_3 {add = true} : memref<640x16xf32, #tpu.memory_space<vmem>>[vector<16xi32>, vector<16xi32>], vector<16xf32>,
    }
    %scan3A_8 = arith.constant 632 : i32
    %barrier3A = arith.constant 0 : index
    tpu.barrier barrier_id(%barrier3A)
    %run_scoped3A = arith.constant 0 : i32
    "tpu.region"() ({
      %run_scoped3A_19 = tpu.sem_alloc : memref<!tpu.dma_semaphore, #tpu.memory_space<semaphore_mem>>
      %dma_start3A = arith.constant 0 : i32
      %dma_start3A_20 = arith.constant 0 : i32
      %dma_start3A_21 = tpu.memref_slice %arg7[%dma_start3A, %dma_start3A_20] : memref<640x16xf32, #tpu.memory_space<vmem>> -> memref<128x16xf32, #tpu.memory_space<vmem>>
      %dma_start3A_22 = arith.constant 0 : i32
      %dma_start3A_23 = tpu.memref_slice %arg8[%run_scoped3A, %dma_start3A_22] : memref<5x128xi32, #tpu.memory_space<vmem>> -> memref<1x128xi32, #tpu.memory_space<vmem>>
      %dma_start3A_24 = tpu.memref_squeeze %dma_start3A_23 : memref<1x128xi32, #tpu.memory_space<vmem>> -> memref<128xi32, #tpu.memory_space<vmem>>
      %dma_start3A_25 = arith.constant 0 : i32
      %dma_start3A_26 = arith.constant 0 : i32
      %dma_start3A_27 = tpu.memref_slice %arg9[%dma_start3A_25, %dma_start3A_26] : memref<640x16xf32, #tpu.memory_space<vmem_shared>> -> memref<640x16xf32, #tpu.memory_space<vmem_shared>>
      tpu.enqueue_indirect_dma source(%dma_start3A_21 : memref<128x16xf32, #tpu.memory_space<vmem>>) target(%dma_start3A_27 : memref<640x16xf32, #tpu.memory_space<vmem_shared>>) offsets(%dma_start3A_24 : memref<128xi32, #tpu.memory_space<vmem>>) semaphore(%run_scoped3A_19 : memref<!tpu.dma_semaphore, #tpu.memory_space<semaphore_mem>>) {add = true}
      %dma_wait3A = arith.constant 0 : i32
      %dma_wait3A_28 = arith.constant 0 : i32
      %dma_wait3A_29 = tpu.memref_slice %arg7[%dma_wait3A, %dma_wait3A_28] : memref<640x16xf32, #tpu.memory_space<vmem>> -> memref<128x16xf32, #tpu.memory_space<vmem>>
      %dma_wait3A_30 = arith.constant 0 : i32
      %dma_wait3A_31 = tpu.memref_slice %arg8[%run_scoped3A, %dma_wait3A_30] : memref<5x128xi32, #tpu.memory_space<vmem>> -> memref<1x128xi32, #tpu.memory_space<vmem>>
      %dma_wait3A_32 = tpu.memref_squeeze %dma_wait3A_31 : memref<1x128xi32, #tpu.memory_space<vmem>> -> memref<128xi32, #tpu.memory_space<vmem>>
      %dma_wait3A_33 = arith.constant 0 : i32
      %dma_wait3A_34 = arith.constant 0 : i32
      %dma_wait3A_35 = tpu.memref_slice %arg9[%dma_wait3A_33, %dma_wait3A_34] : memref<640x16xf32, #tpu.memory_space<vmem_shared>> -> memref<640x16xf32, #tpu.memory_space<vmem_shared>>
      tpu.wait_indirect_dma semaphore(%run_scoped3A_19 : memref<!tpu.dma_semaphore, #tpu.memory_space<semaphore_mem>>) src(%dma_wait3A_29 : memref<128x16xf32, #tpu.memory_space<vmem>>) dst(%dma_wait3A_35 : memref<640x16xf32, #tpu.memory_space<vmem_shared>>)
      tpu.yield
    }) : () -> ()
    %run_scoped3A_9 = arith.constant 1 : i32
    "tpu.region"() ({
      %run_scoped3A_19 = tpu.sem_alloc : memref<!tpu.dma_semaphore, #tpu.memory_space<semaphore_mem>>
      %dma_start3A = arith.constant 128 : i32
      %dma_start3A_20 = arith.constant 0 : i32
      %dma_start3A_21 = tpu.memref_slice %arg7[%dma_start3A, %dma_start3A_20] : memref<640x16xf32, #tpu.memory_space<vmem>> -> memref<128x16xf32, #tpu.memory_space<vmem>>
      %dma_start3A_22 = arith.constant 0 : i32
      %dma_start3A_23 = tpu.memref_slice %arg8[%run_scoped3A_9, %dma_start3A_22] : memref<5x128xi32, #tpu.memory_space<vmem>> -> memref<1x128xi32, #tpu.memory_space<vmem>>
      %dma_start3A_24 = tpu.memref_squeeze %dma_start3A_23 : memref<1x128xi32, #tpu.memory_space<vmem>> -> memref<128xi32, #tpu.memory_space<vmem>>
      %dma_start3A_25 = arith.constant 0 : i32
      %dma_start3A_26 = arith.constant 0 : i32
      %dma_start3A_27 = tpu.memref_slice %arg9[%dma_start3A_25, %dma_start3A_26] : memref<640x16xf32, #tpu.memory_space<vmem_shared>> -> memref<640x16xf32, #tpu.memory_space<vmem_shared>>
      tpu.enqueue_indirect_dma source(%dma_start3A_21 : memref<128x16xf32, #tpu.memory_space<vmem>>) target(%dma_start3A_27 : memref<640x16xf32, #tpu.memory_space<vmem_shared>>) offsets(%dma_start3A_24 : memref<128xi32, #tpu.memory_space<vmem>>) semaphore(%run_scoped3A_19 : memref<!tpu.dma_semaphore, #tpu.memory_space<semaphore_mem>>) {add = true}
      %dma_wait3A = arith.constant 128 : i32
      %dma_wait3A_28 = arith.constant 0 : i32
      %dma_wait3A_29 = tpu.memref_slice %arg7[%dma_wait3A, %dma_wait3A_28] : memref<640x16xf32, #tpu.memory_space<vmem>> -> memref<128x16xf32, #tpu.memory_space<vmem>>
      %dma_wait3A_30 = arith.constant 0 : i32
      %dma_wait3A_31 = tpu.memref_slice %arg8[%run_scoped3A_9, %dma_wait3A_30] : memref<5x128xi32, #tpu.memory_space<vmem>> -> memref<1x128xi32, #tpu.memory_space<vmem>>
      %dma_wait3A_32 = tpu.memref_squeeze %dma_wait3A_31 : memref<1x128xi32, #tpu.memory_space<vmem>> -> memref<128xi32, #tpu.memory_space<vmem>>
      %dma_wait3A_33 = arith.constant 0 : i32
      %dma_wait3A_34 = arith.constant 0 : i32
      %dma_wait3A_35 = tpu.memref_slice %arg9[%dma_wait3A_33, %dma_wait3A_34] : memref<640x16xf32, #tpu.memory_space<vmem_shared>> -> memref<640x16xf32, #tpu.memory_space<vmem_shared>>
      tpu.wait_indirect_dma semaphore(%run_scoped3A_19 : memref<!tpu.dma_semaphore, #tpu.memory_space<semaphore_mem>>) src(%dma_wait3A_29 : memref<128x16xf32, #tpu.memory_space<vmem>>) dst(%dma_wait3A_35 : memref<640x16xf32, #tpu.memory_space<vmem_shared>>)
      tpu.yield
    }) : () -> ()
    %run_scoped3A_10 = arith.constant 2 : i32
    "tpu.region"() ({
      %run_scoped3A_19 = tpu.sem_alloc : memref<!tpu.dma_semaphore, #tpu.memory_space<semaphore_mem>>
      %dma_start3A = arith.constant 256 : i32
      %dma_start3A_20 = arith.constant 0 : i32
      %dma_start3A_21 = tpu.memref_slice %arg7[%dma_start3A, %dma_start3A_20] : memref<640x16xf32, #tpu.memory_space<vmem>> -> memref<128x16xf32, #tpu.memory_space<vmem>>
      %dma_start3A_22 = arith.constant 0 : i32
      %dma_start3A_23 = tpu.memref_slice %arg8[%run_scoped3A_10, %dma_start3A_22] : memref<5x128xi32, #tpu.memory_space<vmem>> -> memref<1x128xi32, #tpu.memory_space<vmem>>
      %dma_start3A_24 = tpu.memref_squeeze %dma_start3A_23 : memref<1x128xi32, #tpu.memory_space<vmem>> -> memref<128xi32, #tpu.memory_space<vmem>>
      %dma_start3A_25 = arith.constant 0 : i32
      %dma_start3A_26 = arith.constant 0 : i32
      %dma_start3A_27 = tpu.memref_slice %arg9[%dma_start3A_25, %dma_start3A_26] : memref<640x16xf32, #tpu.memory_space<vmem_shared>> -> memref<640x16xf32, #tpu.memory_space<vmem_shared>>
      tpu.enqueue_indirect_dma source(%dma_start3A_21 : memref<128x16xf32, #tpu.memory_space<vmem>>) target(%dma_start3A_27 : memref<640x16xf32, #tpu.memory_space<vmem_shared>>) offsets(%dma_start3A_24 : memref<128xi32, #tpu.memory_space<vmem>>) semaphore(%run_scoped3A_19 : memref<!tpu.dma_semaphore, #tpu.memory_space<semaphore_mem>>) {add = true}
      %dma_wait3A = arith.constant 256 : i32
      %dma_wait3A_28 = arith.constant 0 : i32
      %dma_wait3A_29 = tpu.memref_slice %arg7[%dma_wait3A, %dma_wait3A_28] : memref<640x16xf32, #tpu.memory_space<vmem>> -> memref<128x16xf32, #tpu.memory_space<vmem>>
      %dma_wait3A_30 = arith.constant 0 : i32
      %dma_wait3A_31 = tpu.memref_slice %arg8[%run_scoped3A_10, %dma_wait3A_30] : memref<5x128xi32, #tpu.memory_space<vmem>> -> memref<1x128xi32, #tpu.memory_space<vmem>>
      %dma_wait3A_32 = tpu.memref_squeeze %dma_wait3A_31 : memref<1x128xi32, #tpu.memory_space<vmem>> -> memref<128xi32, #tpu.memory_space<vmem>>
      %dma_wait3A_33 = arith.constant 0 : i32
      %dma_wait3A_34 = arith.constant 0 : i32
      %dma_wait3A_35 = tpu.memref_slice %arg9[%dma_wait3A_33, %dma_wait3A_34] : memref<640x16xf32, #tpu.memory_space<vmem_shared>> -> memref<640x16xf32, #tpu.memory_space<vmem_shared>>
      tpu.wait_indirect_dma semaphore(%run_scoped3A_19 : memref<!tpu.dma_semaphore, #tpu.memory_space<semaphore_mem>>) src(%dma_wait3A_29 : memref<128x16xf32, #tpu.memory_space<vmem>>) dst(%dma_wait3A_35 : memref<640x16xf32, #tpu.memory_space<vmem_shared>>)
      tpu.yield
    }) : () -> ()
    %run_scoped3A_11 = arith.constant 3 : i32
    "tpu.region"() ({
      %run_scoped3A_19 = tpu.sem_alloc : memref<!tpu.dma_semaphore, #tpu.memory_space<semaphore_mem>>
      %dma_start3A = arith.constant 384 : i32
      %dma_start3A_20 = arith.constant 0 : i32
      %dma_start3A_21 = tpu.memref_slice %arg7[%dma_start3A, %dma_start3A_20] : memref<640x16xf32, #tpu.memory_space<vmem>> -> memref<128x16xf32, #tpu.memory_space<vmem>>
      %dma_start3A_22 = arith.constant 0 : i32
      %dma_start3A_23 = tpu.memref_slice %arg8[%run_scoped3A_11, %dma_start3A_22] : memref<5x128xi32, #tpu.memory_space<vmem>> -> memref<1x128xi32, #tpu.memory_space<vmem>>
      %dma_start3A_24 = tpu.memref_squeeze %dma_start3A_23 : memref<1x128xi32, #tpu.memory_space<vmem>> -> memref<128xi32, #tpu.memory_space<vmem>>
      %dma_start3A_25 = arith.constant 0 : i32
      %dma_start3A_26 = arith.constant 0 : i32
      %dma_start3A_27 = tpu.memref_slice %arg9[%dma_start3A_25, %dma_start3A_26] : memref<640x16xf32, #tpu.memory_space<vmem_shared>> -> memref<640x16xf32, #tpu.memory_space<vmem_shared>>
      tpu.enqueue_indirect_dma source(%dma_start3A_21 : memref<128x16xf32, #tpu.memory_space<vmem>>) target(%dma_start3A_27 : memref<640x16xf32, #tpu.memory_space<vmem_shared>>) offsets(%dma_start3A_24 : memref<128xi32, #tpu.memory_space<vmem>>) semaphore(%run_scoped3A_19 : memref<!tpu.dma_semaphore, #tpu.memory_space<semaphore_mem>>) {add = true}
      %dma_wait3A = arith.constant 384 : i32
      %dma_wait3A_28 = arith.constant 0 : i32
      %dma_wait3A_29 = tpu.memref_slice %arg7[%dma_wait3A, %dma_wait3A_28] : memref<640x16xf32, #tpu.memory_space<vmem>> -> memref<128x16xf32, #tpu.memory_space<vmem>>
      %dma_wait3A_30 = arith.constant 0 : i32
      %dma_wait3A_31 = tpu.memref_slice %arg8[%run_scoped3A_11, %dma_wait3A_30] : memref<5x128xi32, #tpu.memory_space<vmem>> -> memref<1x128xi32, #tpu.memory_space<vmem>>
      %dma_wait3A_32 = tpu.memref_squeeze %dma_wait3A_31 : memref<1x128xi32, #tpu.memory_space<vmem>> -> memref<128xi32, #tpu.memory_space<vmem>>
      %dma_wait3A_33 = arith.constant 0 : i32
      %dma_wait3A_34 = arith.constant 0 : i32
      %dma_wait3A_35 = tpu.memref_slice %arg9[%dma_wait3A_33, %dma_wait3A_34] : memref<640x16xf32, #tpu.memory_space<vmem_shared>> -> memref<640x16xf32, #tpu.memory_space<vmem_shared>>
      tpu.wait_indirect_dma semaphore(%run_scoped3A_19 : memref<!tpu.dma_semaphore, #tpu.memory_space<semaphore_mem>>) src(%dma_wait3A_29 : memref<128x16xf32, #tpu.memory_space<vmem>>) dst(%dma_wait3A_35 : memref<640x16xf32, #tpu.memory_space<vmem_shared>>)
      tpu.yield
    }) : () -> ()
    %run_scoped3A_12 = arith.constant 4 : i32
    "tpu.region"() ({
      %run_scoped3A_19 = tpu.sem_alloc : memref<!tpu.dma_semaphore, #tpu.memory_space<semaphore_mem>>
      %dma_start3A = arith.constant 512 : i32
      %dma_start3A_20 = arith.constant 0 : i32
      %dma_start3A_21 = tpu.memref_slice %arg7[%dma_start3A, %dma_start3A_20] : memref<640x16xf32, #tpu.memory_space<vmem>> -> memref<128x16xf32, #tpu.memory_space<vmem>>
      %dma_start3A_22 = arith.constant 0 : i32
      %dma_start3A_23 = tpu.memref_slice %arg8[%run_scoped3A_12, %dma_start3A_22] : memref<5x128xi32, #tpu.memory_space<vmem>> -> memref<1x128xi32, #tpu.memory_space<vmem>>
      %dma_start3A_24 = tpu.memref_squeeze %dma_start3A_23 : memref<1x128xi32, #tpu.memory_space<vmem>> -> memref<128xi32, #tpu.memory_space<vmem>>
      %dma_start3A_25 = arith.constant 0 : i32
      %dma_start3A_26 = arith.constant 0 : i32
      %dma_start3A_27 = tpu.memref_slice %arg9[%dma_start3A_25, %dma_start3A_26] : memref<640x16xf32, #tpu.memory_space<vmem_shared>> -> memref<640x16xf32, #tpu.memory_space<vmem_shared>>
      tpu.enqueue_indirect_dma source(%dma_start3A_21 : memref<128x16xf32, #tpu.memory_space<vmem>>) target(%dma_start3A_27 : memref<640x16xf32, #tpu.memory_space<vmem_shared>>) offsets(%dma_start3A_24 : memref<128xi32, #tpu.memory_space<vmem>>) semaphore(%run_scoped3A_19 : memref<!tpu.dma_semaphore, #tpu.memory_space<semaphore_mem>>) {add = true}
      %dma_wait3A = arith.constant 512 : i32
      %dma_wait3A_28 = arith.constant 0 : i32
      %dma_wait3A_29 = tpu.memref_slice %arg7[%dma_wait3A, %dma_wait3A_28] : memref<640x16xf32, #tpu.memory_space<vmem>> -> memref<128x16xf32, #tpu.memory_space<vmem>>
      %dma_wait3A_30 = arith.constant 0 : i32
      %dma_wait3A_31 = tpu.memref_slice %arg8[%run_scoped3A_12, %dma_wait3A_30] : memref<5x128xi32, #tpu.memory_space<vmem>> -> memref<1x128xi32, #tpu.memory_space<vmem>>
      %dma_wait3A_32 = tpu.memref_squeeze %dma_wait3A_31 : memref<1x128xi32, #tpu.memory_space<vmem>> -> memref<128xi32, #tpu.memory_space<vmem>>
      %dma_wait3A_33 = arith.constant 0 : i32
      %dma_wait3A_34 = arith.constant 0 : i32
      %dma_wait3A_35 = tpu.memref_slice %arg9[%dma_wait3A_33, %dma_wait3A_34] : memref<640x16xf32, #tpu.memory_space<vmem_shared>> -> memref<640x16xf32, #tpu.memory_space<vmem_shared>>
      tpu.wait_indirect_dma semaphore(%run_scoped3A_19 : memref<!tpu.dma_semaphore, #tpu.memory_space<semaphore_mem>>) src(%dma_wait3A_29 : memref<128x16xf32, #tpu.memory_space<vmem>>) dst(%dma_wait3A_35 : memref<640x16xf32, #tpu.memory_space<vmem_shared>>)
      tpu.yield
    }) : () -> ()
    %barrier3A_13 = arith.constant 0 : index
    tpu.barrier barrier_id(%barrier3A_13)
    %eq3A_14 = arith.constant 0 : i32
    %eq3A_15 = arith.cmpi eq, %arg1, %eq3A_14 : i32
    %convert_element_type3A_16 = arith.extui %eq3A_15 : i1 to i32
    %cond3A_17 = arith.constant 0 : i32
    %cond3A_18 = arith.cmpi ne, %convert_element_type3A_16, %cond3A_17 : i32
    scf.if %cond3A_18 {
      "tpu.region"() ({
        %run_scoped3A_19 = tpu.sem_alloc : memref<!tpu.dma_semaphore, #tpu.memory_space<semaphore_mem>>
        %dma_start3A = arith.constant 0 : i32
        %dma_start3A_20 = arith.constant 0 : i32
        %dma_start3A_21 = tpu.memref_slice %arg5[%arg0, %dma_start3A, %dma_start3A_20] : memref<2x640x16xf32, #tpu.memory_space<hbm>> -> memref<1x640x16xf32, #tpu.memory_space<hbm>>
        %dma_start3A_22 = tpu.memref_squeeze %dma_start3A_21 : memref<1x640x16xf32, #tpu.memory_space<hbm>> -> memref<640x16xf32, #tpu.memory_space<hbm>>
        tpu.enqueue_dma source(%arg9 : memref<640x16xf32, #tpu.memory_space<vmem_shared>>) target(%dma_start3A_22 : memref<640x16xf32, #tpu.memory_space<hbm>>) target_semaphore(%run_scoped3A_19 : memref<!tpu.dma_semaphore, #tpu.memory_space<semaphore_mem>>)
        %dma_wait3A = arith.constant 0 : i32
        %dma_wait3A_23 = arith.constant 0 : i32
        %dma_wait3A_24 = tpu.memref_slice %arg5[%arg0, %dma_wait3A, %dma_wait3A_23] : memref<2x640x16xf32, #tpu.memory_space<hbm>> -> memref<1x640x16xf32, #tpu.memory_space<hbm>>
        %dma_wait3A_25 = tpu.memref_squeeze %dma_wait3A_24 : memref<1x640x16xf32, #tpu.memory_space<hbm>> -> memref<640x16xf32, #tpu.memory_space<hbm>>
        tpu.wait_dma2 semaphore(%run_scoped3A_19 : memref<!tpu.dma_semaphore, #tpu.memory_space<semaphore_mem>>) src(%arg9 : memref<640x16xf32, #tpu.memory_space<vmem_shared>>) dst(%dma_wait3A_25 : memref<640x16xf32, #tpu.memory_space<hbm>>)
        tpu.yield
      }) : () -> ()
    } else {
    }
    return
  }
}

#map = affine_map<(d0, d1) -> (0, 0, 0)>
#map1 = affine_map<(d0, d1) -> (0, 0)>
module attributes {stable_mosaic.version = 14 : i64} {
  func.func @prop_kernel(%arg0: i32, %arg1: i32, %arg2: memref<32x79x128xi32, #tpu.memory_space<hbm>>, %arg3: memref<32x79x128xi32, #tpu.memory_space<hbm>>, %arg4: memref<10240x16xf32, #tpu.memory_space<hbm>>, %arg5: memref<2x10240x16xf32, #tpu.memory_space<hbm>>, %arg6: memref<79x128xi32, #tpu.memory_space<vmem>>, %arg7: memref<79x128xi32, #tpu.memory_space<vmem>>, %arg8: memref<4x128x16xf32, #tpu.memory_space<vmem>>, %arg9: memref<4x!tpu.dma_semaphore, #tpu.memory_space<semaphore_mem>>, %arg10: memref<4x!tpu.dma_semaphore, #tpu.memory_space<semaphore_mem>>, %arg11: memref<10240x16xf32, #tpu.memory_space<vmem_shared>>) attributes {dimension_semantics = [#tpu.dimension_semantics<core_parallel>, #tpu.dimension_semantics<subcore_parallel>], iteration_bounds = array<i64: 2, 16>, scalar_prefetch = 0 : i64, scratch_operands = 6 : i64, tpu.core_type = #tpu.core_type<sc_vector_subcore>, window_params = [{transform_indices = #map}, {transform_indices = #map}, {transform_indices = #map1}, {transform_indices = #map}]} {
    %mul3A = arith.constant 16 : i32
    %mul3A_0 = arith.muli %arg0, %mul3A : i32
    %add3A = arith.addi %mul3A_0, %arg1 : i32
    "tpu.region"() ({
      %run_scoped3A = tpu.sem_alloc : memref<!tpu.dma_semaphore, #tpu.memory_space<semaphore_mem>>
      %dma_start3A_102 = arith.constant 0 : i32
      %dma_start3A_103 = arith.constant 0 : i32
      %dma_start3A_104 = tpu.memref_slice %arg2[%add3A, %dma_start3A_102, %dma_start3A_103] : memref<32x79x128xi32, #tpu.memory_space<hbm>> -> memref<1x79x128xi32, #tpu.memory_space<hbm>>
      %dma_start3A_105 = tpu.memref_squeeze %dma_start3A_104 : memref<1x79x128xi32, #tpu.memory_space<hbm>> -> memref<79x128xi32, #tpu.memory_space<hbm>>
      %dma_start3A_106 = arith.constant 0 : i32
      %dma_start3A_107 = arith.constant 0 : i32
      %dma_start3A_108 = tpu.memref_slice %arg2[%add3A, %dma_start3A_106, %dma_start3A_107] : memref<32x79x128xi32, #tpu.memory_space<hbm>> -> memref<1x79x128xi32, #tpu.memory_space<hbm>>
      %dma_start3A_109 = tpu.memref_squeeze %dma_start3A_108 : memref<1x79x128xi32, #tpu.memory_space<hbm>> -> memref<79x128xi32, #tpu.memory_space<hbm>>
      tpu.enqueue_dma source(%dma_start3A_109 : memref<79x128xi32, #tpu.memory_space<hbm>>) target(%arg6 : memref<79x128xi32, #tpu.memory_space<vmem>>) target_semaphore(%run_scoped3A : memref<!tpu.dma_semaphore, #tpu.memory_space<semaphore_mem>>)
      %dma_wait3A_110 = arith.constant 0 : i32
      %dma_wait3A_111 = arith.constant 0 : i32
      %dma_wait3A_112 = tpu.memref_slice %arg2[%add3A, %dma_wait3A_110, %dma_wait3A_111] : memref<32x79x128xi32, #tpu.memory_space<hbm>> -> memref<1x79x128xi32, #tpu.memory_space<hbm>>
      %dma_wait3A_113 = tpu.memref_squeeze %dma_wait3A_112 : memref<1x79x128xi32, #tpu.memory_space<hbm>> -> memref<79x128xi32, #tpu.memory_space<hbm>>
      %dma_wait3A_114 = arith.constant 0 : i32
      %dma_wait3A_115 = arith.constant 0 : i32
      %dma_wait3A_116 = tpu.memref_slice %arg2[%add3A, %dma_wait3A_114, %dma_wait3A_115] : memref<32x79x128xi32, #tpu.memory_space<hbm>> -> memref<1x79x128xi32, #tpu.memory_space<hbm>>
      %dma_wait3A_117 = tpu.memref_squeeze %dma_wait3A_116 : memref<1x79x128xi32, #tpu.memory_space<hbm>> -> memref<79x128xi32, #tpu.memory_space<hbm>>
      tpu.wait_dma2 semaphore(%run_scoped3A : memref<!tpu.dma_semaphore, #tpu.memory_space<semaphore_mem>>) src(%dma_wait3A_117 : memref<79x128xi32, #tpu.memory_space<hbm>>) dst(%arg6 : memref<79x128xi32, #tpu.memory_space<vmem>>)
      tpu.yield
    }) : () -> ()
    "tpu.region"() ({
      %run_scoped3A = tpu.sem_alloc : memref<!tpu.dma_semaphore, #tpu.memory_space<semaphore_mem>>
      %dma_start3A_102 = arith.constant 0 : i32
      %dma_start3A_103 = arith.constant 0 : i32
      %dma_start3A_104 = tpu.memref_slice %arg3[%add3A, %dma_start3A_102, %dma_start3A_103] : memref<32x79x128xi32, #tpu.memory_space<hbm>> -> memref<1x79x128xi32, #tpu.memory_space<hbm>>
      %dma_start3A_105 = tpu.memref_squeeze %dma_start3A_104 : memref<1x79x128xi32, #tpu.memory_space<hbm>> -> memref<79x128xi32, #tpu.memory_space<hbm>>
      %dma_start3A_106 = arith.constant 0 : i32
      %dma_start3A_107 = arith.constant 0 : i32
      %dma_start3A_108 = tpu.memref_slice %arg3[%add3A, %dma_start3A_106, %dma_start3A_107] : memref<32x79x128xi32, #tpu.memory_space<hbm>> -> memref<1x79x128xi32, #tpu.memory_space<hbm>>
      %dma_start3A_109 = tpu.memref_squeeze %dma_start3A_108 : memref<1x79x128xi32, #tpu.memory_space<hbm>> -> memref<79x128xi32, #tpu.memory_space<hbm>>
      tpu.enqueue_dma source(%dma_start3A_109 : memref<79x128xi32, #tpu.memory_space<hbm>>) target(%arg7 : memref<79x128xi32, #tpu.memory_space<vmem>>) target_semaphore(%run_scoped3A : memref<!tpu.dma_semaphore, #tpu.memory_space<semaphore_mem>>)
      %dma_wait3A_110 = arith.constant 0 : i32
      %dma_wait3A_111 = arith.constant 0 : i32
      %dma_wait3A_112 = tpu.memref_slice %arg3[%add3A, %dma_wait3A_110, %dma_wait3A_111] : memref<32x79x128xi32, #tpu.memory_space<hbm>> -> memref<1x79x128xi32, #tpu.memory_space<hbm>>
      %dma_wait3A_113 = tpu.memref_squeeze %dma_wait3A_112 : memref<1x79x128xi32, #tpu.memory_space<hbm>> -> memref<79x128xi32, #tpu.memory_space<hbm>>
      %dma_wait3A_114 = arith.constant 0 : i32
      %dma_wait3A_115 = arith.constant 0 : i32
      %dma_wait3A_116 = tpu.memref_slice %arg3[%add3A, %dma_wait3A_114, %dma_wait3A_115] : memref<32x79x128xi32, #tpu.memory_space<hbm>> -> memref<1x79x128xi32, #tpu.memory_space<hbm>>
      %dma_wait3A_117 = tpu.memref_squeeze %dma_wait3A_116 : memref<1x79x128xi32, #tpu.memory_space<hbm>> -> memref<79x128xi32, #tpu.memory_space<hbm>>
      tpu.wait_dma2 semaphore(%run_scoped3A : memref<!tpu.dma_semaphore, #tpu.memory_space<semaphore_mem>>) src(%dma_wait3A_117 : memref<79x128xi32, #tpu.memory_space<hbm>>) dst(%arg7 : memref<79x128xi32, #tpu.memory_space<vmem>>)
      tpu.yield
    }) : () -> ()
    %eq3A = arith.constant 0 : i32
    %eq3A_1 = arith.cmpi eq, %arg1, %eq3A : i32
    %convert_element_type3A = arith.extui %eq3A_1 : i1 to i32
    %cond3A = arith.constant 0 : i32
    %cond3A_2 = arith.cmpi ne, %convert_element_type3A, %cond3A : i32
    scf.if %cond3A_2 {
      "tpu.region"() ({
        %run_scoped3A = tpu.sem_alloc : memref<!tpu.dma_semaphore, #tpu.memory_space<semaphore_mem>>
        tpu.enqueue_dma source(%arg4 : memref<10240x16xf32, #tpu.memory_space<hbm>>) target(%arg11 : memref<10240x16xf32, #tpu.memory_space<vmem_shared>>) target_semaphore(%run_scoped3A : memref<!tpu.dma_semaphore, #tpu.memory_space<semaphore_mem>>)
        tpu.wait_dma2 semaphore(%run_scoped3A : memref<!tpu.dma_semaphore, #tpu.memory_space<semaphore_mem>>) src(%arg4 : memref<10240x16xf32, #tpu.memory_space<hbm>>) dst(%arg11 : memref<10240x16xf32, #tpu.memory_space<vmem_shared>>)
        tpu.yield
      }) : () -> ()
    } else {
    }
    %barrier3A = arith.constant 0 : index
    tpu.barrier barrier_id(%barrier3A)
    %dma_start3A = arith.constant 0 : i32
    %dma_start3A_3 = arith.constant 0 : i32
    %dma_start3A_4 = arith.constant 0 : i32
    %dma_start3A_5 = arith.constant 0 : i32
    %dma_start3A_6 = arith.constant 0 : i32
    %dma_start3A_7 = tpu.memref_slice %arg8[%dma_start3A_3, %dma_start3A_5, %dma_start3A_6] : memref<4x128x16xf32, #tpu.memory_space<vmem>> -> memref<1x128x16xf32, #tpu.memory_space<vmem>>
    %dma_start3A_8 = tpu.memref_squeeze %dma_start3A_7 : memref<1x128x16xf32, #tpu.memory_space<vmem>> -> memref<128x16xf32, #tpu.memory_space<vmem>>
    %dma_start3A_9 = arith.constant 0 : i32
    %dma_start3A_10 = tpu.memref_slice %arg6[%dma_start3A, %dma_start3A_9] : memref<79x128xi32, #tpu.memory_space<vmem>> -> memref<1x128xi32, #tpu.memory_space<vmem>>
    %dma_start3A_11 = tpu.memref_squeeze %dma_start3A_10 : memref<1x128xi32, #tpu.memory_space<vmem>> -> memref<128xi32, #tpu.memory_space<vmem>>
    %dma_start3A_12 = arith.constant 0 : i32
    %dma_start3A_13 = arith.constant 0 : i32
    %dma_start3A_14 = tpu.memref_slice %arg4[%dma_start3A_12, %dma_start3A_13] : memref<10240x16xf32, #tpu.memory_space<hbm>> -> memref<10240x16xf32, #tpu.memory_space<hbm>>
    %dma_start3A_15 = tpu.memref_slice %arg9[%dma_start3A_4] : memref<4x!tpu.dma_semaphore, #tpu.memory_space<semaphore_mem>> -> memref<1x!tpu.dma_semaphore, #tpu.memory_space<semaphore_mem>>
    %dma_start3A_16 = tpu.memref_squeeze %dma_start3A_15 : memref<1x!tpu.dma_semaphore, #tpu.memory_space<semaphore_mem>> -> memref<!tpu.dma_semaphore, #tpu.memory_space<semaphore_mem>>
    tpu.enqueue_indirect_dma source(%dma_start3A_14 : memref<10240x16xf32, #tpu.memory_space<hbm>>) target(%dma_start3A_8 : memref<128x16xf32, #tpu.memory_space<vmem>>) offsets(%dma_start3A_11 : memref<128xi32, #tpu.memory_space<vmem>>) semaphore(%dma_start3A_16 : memref<!tpu.dma_semaphore, #tpu.memory_space<semaphore_mem>>)
    %dma_start3A_17 = arith.constant 1 : i32
    %dma_start3A_18 = arith.constant 1 : i32
    %dma_start3A_19 = arith.constant 1 : i32
    %dma_start3A_20 = arith.constant 0 : i32
    %dma_start3A_21 = arith.constant 0 : i32
    %dma_start3A_22 = tpu.memref_slice %arg8[%dma_start3A_18, %dma_start3A_20, %dma_start3A_21] : memref<4x128x16xf32, #tpu.memory_space<vmem>> -> memref<1x128x16xf32, #tpu.memory_space<vmem>>
    %dma_start3A_23 = tpu.memref_squeeze %dma_start3A_22 : memref<1x128x16xf32, #tpu.memory_space<vmem>> -> memref<128x16xf32, #tpu.memory_space<vmem>>
    %dma_start3A_24 = arith.constant 0 : i32
    %dma_start3A_25 = tpu.memref_slice %arg6[%dma_start3A_17, %dma_start3A_24] : memref<79x128xi32, #tpu.memory_space<vmem>> -> memref<1x128xi32, #tpu.memory_space<vmem>>
    %dma_start3A_26 = tpu.memref_squeeze %dma_start3A_25 : memref<1x128xi32, #tpu.memory_space<vmem>> -> memref<128xi32, #tpu.memory_space<vmem>>
    %dma_start3A_27 = arith.constant 0 : i32
    %dma_start3A_28 = arith.constant 0 : i32
    %dma_start3A_29 = tpu.memref_slice %arg4[%dma_start3A_27, %dma_start3A_28] : memref<10240x16xf32, #tpu.memory_space<hbm>> -> memref<10240x16xf32, #tpu.memory_space<hbm>>
    %dma_start3A_30 = tpu.memref_slice %arg9[%dma_start3A_19] : memref<4x!tpu.dma_semaphore, #tpu.memory_space<semaphore_mem>> -> memref<1x!tpu.dma_semaphore, #tpu.memory_space<semaphore_mem>>
    %dma_start3A_31 = tpu.memref_squeeze %dma_start3A_30 : memref<1x!tpu.dma_semaphore, #tpu.memory_space<semaphore_mem>> -> memref<!tpu.dma_semaphore, #tpu.memory_space<semaphore_mem>>
    tpu.enqueue_indirect_dma source(%dma_start3A_29 : memref<10240x16xf32, #tpu.memory_space<hbm>>) target(%dma_start3A_23 : memref<128x16xf32, #tpu.memory_space<vmem>>) offsets(%dma_start3A_26 : memref<128xi32, #tpu.memory_space<vmem>>) semaphore(%dma_start3A_31 : memref<!tpu.dma_semaphore, #tpu.memory_space<semaphore_mem>>)
    %scan3A = arith.constant 0 : i32
    %scan3A_32 = arith.constant 0 : i32
    %scan3A_33 = arith.constant 79 : i32
    %scan3A_34 = arith.addi %scan3A_32, %scan3A_33 : i32
    %scan3A_35 = arith.constant 1 : i32
    scf.for %scan3A_102 = %scan3A_32 to %scan3A_34 step %scan3A_35  : i32 {
      %and3A = arith.constant 3 : i32
      %and3A_103 = arith.andi %scan3A_102, %and3A : i32
      %add3A_104 = arith.constant 2 : i32
      %add3A_105 = arith.addi %scan3A_102, %add3A_104 : i32
      %lt3A = arith.constant 79 : i32
      %lt3A_106 = arith.cmpi slt, %add3A_105, %lt3A : i32
      %convert_element_type3A_107 = arith.extui %lt3A_106 : i1 to i32
      %cond3A_108 = arith.constant 0 : i32
      %cond3A_109 = arith.cmpi ne, %convert_element_type3A_107, %cond3A_108 : i32
      scf.if %cond3A_109 {
        %and3A_134 = arith.constant 3 : i32
        %and3A_135 = arith.andi %add3A_105, %and3A_134 : i32
        %ge3A = arith.constant 4 : i32
        %ge3A_136 = arith.cmpi sge, %add3A_105, %ge3A : i32
        %convert_element_type3A_137 = arith.extui %ge3A_136 : i1 to i32
        %cond3A_138 = arith.constant 0 : i32
        %cond3A_139 = arith.cmpi ne, %convert_element_type3A_137, %cond3A_138 : i32
        scf.if %cond3A_139 {
          %sub3A = arith.constant 4 : i32
          %sub3A_152 = arith.subi %add3A_105, %sub3A : i32
          %dma_wait3A_153 = arith.constant 0 : i32
          %dma_wait3A_154 = arith.constant 0 : i32
          %dma_wait3A_155 = tpu.memref_slice %arg8[%and3A_135, %dma_wait3A_153, %dma_wait3A_154] : memref<4x128x16xf32, #tpu.memory_space<vmem>> -> memref<1x128x16xf32, #tpu.memory_space<vmem>>
          %dma_wait3A_156 = tpu.memref_squeeze %dma_wait3A_155 : memref<1x128x16xf32, #tpu.memory_space<vmem>> -> memref<128x16xf32, #tpu.memory_space<vmem>>
          %dma_wait3A_157 = arith.constant 0 : i32
          %dma_wait3A_158 = tpu.memref_slice %arg7[%sub3A_152, %dma_wait3A_157] : memref<79x128xi32, #tpu.memory_space<vmem>> -> memref<1x128xi32, #tpu.memory_space<vmem>>
          %dma_wait3A_159 = tpu.memref_squeeze %dma_wait3A_158 : memref<1x128xi32, #tpu.memory_space<vmem>> -> memref<128xi32, #tpu.memory_space<vmem>>
          %dma_wait3A_160 = arith.constant 0 : i32
          %dma_wait3A_161 = arith.constant 0 : i32
          %dma_wait3A_162 = tpu.memref_slice %arg11[%dma_wait3A_160, %dma_wait3A_161] : memref<10240x16xf32, #tpu.memory_space<vmem_shared>> -> memref<10240x16xf32, #tpu.memory_space<vmem_shared>>
          %dma_wait3A_163 = tpu.memref_slice %arg10[%and3A_135] : memref<4x!tpu.dma_semaphore, #tpu.memory_space<semaphore_mem>> -> memref<1x!tpu.dma_semaphore, #tpu.memory_space<semaphore_mem>>
          %dma_wait3A_164 = tpu.memref_squeeze %dma_wait3A_163 : memref<1x!tpu.dma_semaphore, #tpu.memory_space<semaphore_mem>> -> memref<!tpu.dma_semaphore, #tpu.memory_space<semaphore_mem>>
          tpu.wait_indirect_dma semaphore(%dma_wait3A_164 : memref<!tpu.dma_semaphore, #tpu.memory_space<semaphore_mem>>) src(%dma_wait3A_156 : memref<128x16xf32, #tpu.memory_space<vmem>>) dst(%dma_wait3A_162 : memref<10240x16xf32, #tpu.memory_space<vmem_shared>>)
        } else {
        }
        %dma_start3A_140 = arith.constant 0 : i32
        %dma_start3A_141 = arith.constant 0 : i32
        %dma_start3A_142 = tpu.memref_slice %arg8[%and3A_135, %dma_start3A_140, %dma_start3A_141] : memref<4x128x16xf32, #tpu.memory_space<vmem>> -> memref<1x128x16xf32, #tpu.memory_space<vmem>>
        %dma_start3A_143 = tpu.memref_squeeze %dma_start3A_142 : memref<1x128x16xf32, #tpu.memory_space<vmem>> -> memref<128x16xf32, #tpu.memory_space<vmem>>
        %dma_start3A_144 = arith.constant 0 : i32
        %dma_start3A_145 = tpu.memref_slice %arg6[%add3A_105, %dma_start3A_144] : memref<79x128xi32, #tpu.memory_space<vmem>> -> memref<1x128xi32, #tpu.memory_space<vmem>>
        %dma_start3A_146 = tpu.memref_squeeze %dma_start3A_145 : memref<1x128xi32, #tpu.memory_space<vmem>> -> memref<128xi32, #tpu.memory_space<vmem>>
        %dma_start3A_147 = arith.constant 0 : i32
        %dma_start3A_148 = arith.constant 0 : i32
        %dma_start3A_149 = tpu.memref_slice %arg4[%dma_start3A_147, %dma_start3A_148] : memref<10240x16xf32, #tpu.memory_space<hbm>> -> memref<10240x16xf32, #tpu.memory_space<hbm>>
        %dma_start3A_150 = tpu.memref_slice %arg9[%and3A_135] : memref<4x!tpu.dma_semaphore, #tpu.memory_space<semaphore_mem>> -> memref<1x!tpu.dma_semaphore, #tpu.memory_space<semaphore_mem>>
        %dma_start3A_151 = tpu.memref_squeeze %dma_start3A_150 : memref<1x!tpu.dma_semaphore, #tpu.memory_space<semaphore_mem>> -> memref<!tpu.dma_semaphore, #tpu.memory_space<semaphore_mem>>
        tpu.enqueue_indirect_dma source(%dma_start3A_149 : memref<10240x16xf32, #tpu.memory_space<hbm>>) target(%dma_start3A_143 : memref<128x16xf32, #tpu.memory_space<vmem>>) offsets(%dma_start3A_146 : memref<128xi32, #tpu.memory_space<vmem>>) semaphore(%dma_start3A_151 : memref<!tpu.dma_semaphore, #tpu.memory_space<semaphore_mem>>)
      } else {
      }
      %dma_wait3A_110 = arith.constant 0 : i32
      %dma_wait3A_111 = arith.constant 0 : i32
      %dma_wait3A_112 = tpu.memref_slice %arg8[%and3A_103, %dma_wait3A_110, %dma_wait3A_111] : memref<4x128x16xf32, #tpu.memory_space<vmem>> -> memref<1x128x16xf32, #tpu.memory_space<vmem>>
      %dma_wait3A_113 = tpu.memref_squeeze %dma_wait3A_112 : memref<1x128x16xf32, #tpu.memory_space<vmem>> -> memref<128x16xf32, #tpu.memory_space<vmem>>
      %dma_wait3A_114 = arith.constant 0 : i32
      %dma_wait3A_115 = tpu.memref_slice %arg6[%scan3A_102, %dma_wait3A_114] : memref<79x128xi32, #tpu.memory_space<vmem>> -> memref<1x128xi32, #tpu.memory_space<vmem>>
      %dma_wait3A_116 = tpu.memref_squeeze %dma_wait3A_115 : memref<1x128xi32, #tpu.memory_space<vmem>> -> memref<128xi32, #tpu.memory_space<vmem>>
      %dma_wait3A_117 = arith.constant 0 : i32
      %dma_wait3A_118 = arith.constant 0 : i32
      %dma_wait3A_119 = tpu.memref_slice %arg4[%dma_wait3A_117, %dma_wait3A_118] : memref<10240x16xf32, #tpu.memory_space<hbm>> -> memref<10240x16xf32, #tpu.memory_space<hbm>>
      %dma_wait3A_120 = tpu.memref_slice %arg9[%and3A_103] : memref<4x!tpu.dma_semaphore, #tpu.memory_space<semaphore_mem>> -> memref<1x!tpu.dma_semaphore, #tpu.memory_space<semaphore_mem>>
      %dma_wait3A_121 = tpu.memref_squeeze %dma_wait3A_120 : memref<1x!tpu.dma_semaphore, #tpu.memory_space<semaphore_mem>> -> memref<!tpu.dma_semaphore, #tpu.memory_space<semaphore_mem>>
      tpu.wait_indirect_dma semaphore(%dma_wait3A_121 : memref<!tpu.dma_semaphore, #tpu.memory_space<semaphore_mem>>) src(%dma_wait3A_119 : memref<10240x16xf32, #tpu.memory_space<hbm>>) dst(%dma_wait3A_113 : memref<128x16xf32, #tpu.memory_space<vmem>>)
      %dma_start3A_122 = arith.constant 0 : i32
      %dma_start3A_123 = arith.constant 0 : i32
      %dma_start3A_124 = tpu.memref_slice %arg8[%and3A_103, %dma_start3A_122, %dma_start3A_123] : memref<4x128x16xf32, #tpu.memory_space<vmem>> -> memref<1x128x16xf32, #tpu.memory_space<vmem>>
      %dma_start3A_125 = tpu.memref_squeeze %dma_start3A_124 : memref<1x128x16xf32, #tpu.memory_space<vmem>> -> memref<128x16xf32, #tpu.memory_space<vmem>>
      %dma_start3A_126 = arith.constant 0 : i32
      %dma_start3A_127 = tpu.memref_slice %arg7[%scan3A_102, %dma_start3A_126] : memref<79x128xi32, #tpu.memory_space<vmem>> -> memref<1x128xi32, #tpu.memory_space<vmem>>
      %dma_start3A_128 = tpu.memref_squeeze %dma_start3A_127 : memref<1x128xi32, #tpu.memory_space<vmem>> -> memref<128xi32, #tpu.memory_space<vmem>>
      %dma_start3A_129 = arith.constant 0 : i32
      %dma_start3A_130 = arith.constant 0 : i32
      %dma_start3A_131 = tpu.memref_slice %arg11[%dma_start3A_129, %dma_start3A_130] : memref<10240x16xf32, #tpu.memory_space<vmem_shared>> -> memref<10240x16xf32, #tpu.memory_space<vmem_shared>>
      %dma_start3A_132 = tpu.memref_slice %arg10[%and3A_103] : memref<4x!tpu.dma_semaphore, #tpu.memory_space<semaphore_mem>> -> memref<1x!tpu.dma_semaphore, #tpu.memory_space<semaphore_mem>>
      %dma_start3A_133 = tpu.memref_squeeze %dma_start3A_132 : memref<1x!tpu.dma_semaphore, #tpu.memory_space<semaphore_mem>> -> memref<!tpu.dma_semaphore, #tpu.memory_space<semaphore_mem>>
      tpu.enqueue_indirect_dma source(%dma_start3A_125 : memref<128x16xf32, #tpu.memory_space<vmem>>) target(%dma_start3A_131 : memref<10240x16xf32, #tpu.memory_space<vmem_shared>>) offsets(%dma_start3A_128 : memref<128xi32, #tpu.memory_space<vmem>>) semaphore(%dma_start3A_133 : memref<!tpu.dma_semaphore, #tpu.memory_space<semaphore_mem>>) {add = true}
    }
    %scan3A_36 = arith.constant 79 : i32
    %dma_wait3A = arith.constant 3 : i32
    %dma_wait3A_37 = arith.constant 75 : i32
    %dma_wait3A_38 = arith.constant 3 : i32
    %dma_wait3A_39 = arith.constant 0 : i32
    %dma_wait3A_40 = arith.constant 0 : i32
    %dma_wait3A_41 = tpu.memref_slice %arg8[%dma_wait3A, %dma_wait3A_39, %dma_wait3A_40] : memref<4x128x16xf32, #tpu.memory_space<vmem>> -> memref<1x128x16xf32, #tpu.memory_space<vmem>>
    %dma_wait3A_42 = tpu.memref_squeeze %dma_wait3A_41 : memref<1x128x16xf32, #tpu.memory_space<vmem>> -> memref<128x16xf32, #tpu.memory_space<vmem>>
    %dma_wait3A_43 = arith.constant 0 : i32
    %dma_wait3A_44 = tpu.memref_slice %arg7[%dma_wait3A_37, %dma_wait3A_43] : memref<79x128xi32, #tpu.memory_space<vmem>> -> memref<1x128xi32, #tpu.memory_space<vmem>>
    %dma_wait3A_45 = tpu.memref_squeeze %dma_wait3A_44 : memref<1x128xi32, #tpu.memory_space<vmem>> -> memref<128xi32, #tpu.memory_space<vmem>>
    %dma_wait3A_46 = arith.constant 0 : i32
    %dma_wait3A_47 = arith.constant 0 : i32
    %dma_wait3A_48 = tpu.memref_slice %arg11[%dma_wait3A_46, %dma_wait3A_47] : memref<10240x16xf32, #tpu.memory_space<vmem_shared>> -> memref<10240x16xf32, #tpu.memory_space<vmem_shared>>
    %dma_wait3A_49 = tpu.memref_slice %arg10[%dma_wait3A_38] : memref<4x!tpu.dma_semaphore, #tpu.memory_space<semaphore_mem>> -> memref<1x!tpu.dma_semaphore, #tpu.memory_space<semaphore_mem>>
    %dma_wait3A_50 = tpu.memref_squeeze %dma_wait3A_49 : memref<1x!tpu.dma_semaphore, #tpu.memory_space<semaphore_mem>> -> memref<!tpu.dma_semaphore, #tpu.memory_space<semaphore_mem>>
    tpu.wait_indirect_dma semaphore(%dma_wait3A_50 : memref<!tpu.dma_semaphore, #tpu.memory_space<semaphore_mem>>) src(%dma_wait3A_42 : memref<128x16xf32, #tpu.memory_space<vmem>>) dst(%dma_wait3A_48 : memref<10240x16xf32, #tpu.memory_space<vmem_shared>>)
    %dma_wait3A_51 = arith.constant 0 : i32
    %dma_wait3A_52 = arith.constant 76 : i32
    %dma_wait3A_53 = arith.constant 0 : i32
    %dma_wait3A_54 = arith.constant 0 : i32
    %dma_wait3A_55 = arith.constant 0 : i32
    %dma_wait3A_56 = tpu.memref_slice %arg8[%dma_wait3A_51, %dma_wait3A_54, %dma_wait3A_55] : memref<4x128x16xf32, #tpu.memory_space<vmem>> -> memref<1x128x16xf32, #tpu.memory_space<vmem>>
    %dma_wait3A_57 = tpu.memref_squeeze %dma_wait3A_56 : memref<1x128x16xf32, #tpu.memory_space<vmem>> -> memref<128x16xf32, #tpu.memory_space<vmem>>
    %dma_wait3A_58 = arith.constant 0 : i32
    %dma_wait3A_59 = tpu.memref_slice %arg7[%dma_wait3A_52, %dma_wait3A_58] : memref<79x128xi32, #tpu.memory_space<vmem>> -> memref<1x128xi32, #tpu.memory_space<vmem>>
    %dma_wait3A_60 = tpu.memref_squeeze %dma_wait3A_59 : memref<1x128xi32, #tpu.memory_space<vmem>> -> memref<128xi32, #tpu.memory_space<vmem>>
    %dma_wait3A_61 = arith.constant 0 : i32
    %dma_wait3A_62 = arith.constant 0 : i32
    %dma_wait3A_63 = tpu.memref_slice %arg11[%dma_wait3A_61, %dma_wait3A_62] : memref<10240x16xf32, #tpu.memory_space<vmem_shared>> -> memref<10240x16xf32, #tpu.memory_space<vmem_shared>>
    %dma_wait3A_64 = tpu.memref_slice %arg10[%dma_wait3A_53] : memref<4x!tpu.dma_semaphore, #tpu.memory_space<semaphore_mem>> -> memref<1x!tpu.dma_semaphore, #tpu.memory_space<semaphore_mem>>
    %dma_wait3A_65 = tpu.memref_squeeze %dma_wait3A_64 : memref<1x!tpu.dma_semaphore, #tpu.memory_space<semaphore_mem>> -> memref<!tpu.dma_semaphore, #tpu.memory_space<semaphore_mem>>
    tpu.wait_indirect_dma semaphore(%dma_wait3A_65 : memref<!tpu.dma_semaphore, #tpu.memory_space<semaphore_mem>>) src(%dma_wait3A_57 : memref<128x16xf32, #tpu.memory_space<vmem>>) dst(%dma_wait3A_63 : memref<10240x16xf32, #tpu.memory_space<vmem_shared>>)
    %dma_wait3A_66 = arith.constant 1 : i32
    %dma_wait3A_67 = arith.constant 77 : i32
    %dma_wait3A_68 = arith.constant 1 : i32
    %dma_wait3A_69 = arith.constant 0 : i32
    %dma_wait3A_70 = arith.constant 0 : i32
    %dma_wait3A_71 = tpu.memref_slice %arg8[%dma_wait3A_66, %dma_wait3A_69, %dma_wait3A_70] : memref<4x128x16xf32, #tpu.memory_space<vmem>> -> memref<1x128x16xf32, #tpu.memory_space<vmem>>
    %dma_wait3A_72 = tpu.memref_squeeze %dma_wait3A_71 : memref<1x128x16xf32, #tpu.memory_space<vmem>> -> memref<128x16xf32, #tpu.memory_space<vmem>>
    %dma_wait3A_73 = arith.constant 0 : i32
    %dma_wait3A_74 = tpu.memref_slice %arg7[%dma_wait3A_67, %dma_wait3A_73] : memref<79x128xi32, #tpu.memory_space<vmem>> -> memref<1x128xi32, #tpu.memory_space<vmem>>
    %dma_wait3A_75 = tpu.memref_squeeze %dma_wait3A_74 : memref<1x128xi32, #tpu.memory_space<vmem>> -> memref<128xi32, #tpu.memory_space<vmem>>
    %dma_wait3A_76 = arith.constant 0 : i32
    %dma_wait3A_77 = arith.constant 0 : i32
    %dma_wait3A_78 = tpu.memref_slice %arg11[%dma_wait3A_76, %dma_wait3A_77] : memref<10240x16xf32, #tpu.memory_space<vmem_shared>> -> memref<10240x16xf32, #tpu.memory_space<vmem_shared>>
    %dma_wait3A_79 = tpu.memref_slice %arg10[%dma_wait3A_68] : memref<4x!tpu.dma_semaphore, #tpu.memory_space<semaphore_mem>> -> memref<1x!tpu.dma_semaphore, #tpu.memory_space<semaphore_mem>>
    %dma_wait3A_80 = tpu.memref_squeeze %dma_wait3A_79 : memref<1x!tpu.dma_semaphore, #tpu.memory_space<semaphore_mem>> -> memref<!tpu.dma_semaphore, #tpu.memory_space<semaphore_mem>>
    tpu.wait_indirect_dma semaphore(%dma_wait3A_80 : memref<!tpu.dma_semaphore, #tpu.memory_space<semaphore_mem>>) src(%dma_wait3A_72 : memref<128x16xf32, #tpu.memory_space<vmem>>) dst(%dma_wait3A_78 : memref<10240x16xf32, #tpu.memory_space<vmem_shared>>)
    %dma_wait3A_81 = arith.constant 2 : i32
    %dma_wait3A_82 = arith.constant 78 : i32
    %dma_wait3A_83 = arith.constant 2 : i32
    %dma_wait3A_84 = arith.constant 0 : i32
    %dma_wait3A_85 = arith.constant 0 : i32
    %dma_wait3A_86 = tpu.memref_slice %arg8[%dma_wait3A_81, %dma_wait3A_84, %dma_wait3A_85] : memref<4x128x16xf32, #tpu.memory_space<vmem>> -> memref<1x128x16xf32, #tpu.memory_space<vmem>>
    %dma_wait3A_87 = tpu.memref_squeeze %dma_wait3A_86 : memref<1x128x16xf32, #tpu.memory_space<vmem>> -> memref<128x16xf32, #tpu.memory_space<vmem>>
    %dma_wait3A_88 = arith.constant 0 : i32
    %dma_wait3A_89 = tpu.memref_slice %arg7[%dma_wait3A_82, %dma_wait3A_88] : memref<79x128xi32, #tpu.memory_space<vmem>> -> memref<1x128xi32, #tpu.memory_space<vmem>>
    %dma_wait3A_90 = tpu.memref_squeeze %dma_wait3A_89 : memref<1x128xi32, #tpu.memory_space<vmem>> -> memref<128xi32, #tpu.memory_space<vmem>>
    %dma_wait3A_91 = arith.constant 0 : i32
    %dma_wait3A_92 = arith.constant 0 : i32
    %dma_wait3A_93 = tpu.memref_slice %arg11[%dma_wait3A_91, %dma_wait3A_92] : memref<10240x16xf32, #tpu.memory_space<vmem_shared>> -> memref<10240x16xf32, #tpu.memory_space<vmem_shared>>
    %dma_wait3A_94 = tpu.memref_slice %arg10[%dma_wait3A_83] : memref<4x!tpu.dma_semaphore, #tpu.memory_space<semaphore_mem>> -> memref<1x!tpu.dma_semaphore, #tpu.memory_space<semaphore_mem>>
    %dma_wait3A_95 = tpu.memref_squeeze %dma_wait3A_94 : memref<1x!tpu.dma_semaphore, #tpu.memory_space<semaphore_mem>> -> memref<!tpu.dma_semaphore, #tpu.memory_space<semaphore_mem>>
    tpu.wait_indirect_dma semaphore(%dma_wait3A_95 : memref<!tpu.dma_semaphore, #tpu.memory_space<semaphore_mem>>) src(%dma_wait3A_87 : memref<128x16xf32, #tpu.memory_space<vmem>>) dst(%dma_wait3A_93 : memref<10240x16xf32, #tpu.memory_space<vmem_shared>>)
    %barrier3A_96 = arith.constant 0 : index
    tpu.barrier barrier_id(%barrier3A_96)
    %eq3A_97 = arith.constant 0 : i32
    %eq3A_98 = arith.cmpi eq, %arg1, %eq3A_97 : i32
    %convert_element_type3A_99 = arith.extui %eq3A_98 : i1 to i32
    %cond3A_100 = arith.constant 0 : i32
    %cond3A_101 = arith.cmpi ne, %convert_element_type3A_99, %cond3A_100 : i32
    scf.if %cond3A_101 {
      "tpu.region"() ({
        %run_scoped3A = tpu.sem_alloc : memref<!tpu.dma_semaphore, #tpu.memory_space<semaphore_mem>>
        %dma_start3A_102 = arith.constant 0 : i32
        %dma_start3A_103 = arith.constant 0 : i32
        %dma_start3A_104 = tpu.memref_slice %arg5[%arg0, %dma_start3A_102, %dma_start3A_103] : memref<2x10240x16xf32, #tpu.memory_space<hbm>> -> memref<1x10240x16xf32, #tpu.memory_space<hbm>>
        %dma_start3A_105 = tpu.memref_squeeze %dma_start3A_104 : memref<1x10240x16xf32, #tpu.memory_space<hbm>> -> memref<10240x16xf32, #tpu.memory_space<hbm>>
        tpu.enqueue_dma source(%arg11 : memref<10240x16xf32, #tpu.memory_space<vmem_shared>>) target(%dma_start3A_105 : memref<10240x16xf32, #tpu.memory_space<hbm>>) target_semaphore(%run_scoped3A : memref<!tpu.dma_semaphore, #tpu.memory_space<semaphore_mem>>)
        %dma_wait3A_106 = arith.constant 0 : i32
        %dma_wait3A_107 = arith.constant 0 : i32
        %dma_wait3A_108 = tpu.memref_slice %arg5[%arg0, %dma_wait3A_106, %dma_wait3A_107] : memref<2x10240x16xf32, #tpu.memory_space<hbm>> -> memref<1x10240x16xf32, #tpu.memory_space<hbm>>
        %dma_wait3A_109 = tpu.memref_squeeze %dma_wait3A_108 : memref<1x10240x16xf32, #tpu.memory_space<hbm>> -> memref<10240x16xf32, #tpu.memory_space<hbm>>
        tpu.wait_dma2 semaphore(%run_scoped3A : memref<!tpu.dma_semaphore, #tpu.memory_space<semaphore_mem>>) src(%arg11 : memref<10240x16xf32, #tpu.memory_space<vmem_shared>>) dst(%dma_wait3A_109 : memref<10240x16xf32, #tpu.memory_space<hbm>>)
        tpu.yield
      }) : () -> ()
    } else {
    }
    return
  }
}

module attributes {stable_mosaic.version = 14 : i64} {
  func.func @_scale_kernel(%arg0: i32, %arg1: memref<256x128xf32, #tpu.memory_space<vmem>>, %arg2: memref<2x256xf32, #tpu.memory_space<vmem>>, %arg3: memref<128x16xf32, #tpu.memory_space<vmem>>, %arg4: memref<256x16xf32, #tpu.memory_space<vmem>>, %arg5: memref<256x1xf32, #tpu.memory_space<vmem>>) attributes {dimension_semantics = [#tpu.dimension_semantics<arbitrary>], iteration_bounds = array<i64: 40>, scalar_prefetch = 0 : i64, scratch_operands = 0 : i64, tpu.core_type = #tpu.core_type<tc>, window_params = [{transform_indices = @transform_0, window_bounds = array<i64: 256, 128>}, {transform_indices = @transform_1, window_bounds = array<i64: 2, 256>}, {pipeline_mode = #tpu.pipeline_mode<synchronous>, transform_indices = @transform_2, window_bounds = array<i64: 128, 16>}, {transform_indices = @transform_3, window_bounds = array<i64: 256, 16>}, {transform_indices = @transform_4, window_bounds = array<i64: 256, 1>}]} {
    %get3A = arith.constant 0 : index
    %get3A_0 = arith.constant 0 : index
    %get3A_1 = vector.load %arg2[%get3A, %get3A_0] : memref<2x256xf32, #tpu.memory_space<vmem>>, vector<2x256xf32>
    %slice3A = vector.extract_strided_slice %get3A_1 {offsets = [0, 0], sizes = [1, 256], strides = [1, 1]} : vector<2x256xf32> to vector<1x256xf32>
    %squeeze3A = vector.shape_cast %slice3A : vector<1x256xf32> to vector<256xf32>
    %add3A = arith.constant 1.000000e+00 : f32
    %add3A_2 = vector.broadcast %add3A : f32 to vector<256xf32>
    %add3A_3 = arith.addf %add3A_2, %squeeze3A : vector<256xf32>
    %slice3A_4 = vector.extract_strided_slice %get3A_1 {offsets = [1, 0], sizes = [1, 256], strides = [1, 1]} : vector<2x256xf32> to vector<1x256xf32>
    %squeeze3A_5 = vector.shape_cast %slice3A_4 : vector<1x256xf32> to vector<256xf32>
    %add3A_6 = arith.addf %add3A_3, %squeeze3A_5 : vector<256xf32>
    %rsqrt3A = math.rsqrt %add3A_6 : vector<256xf32>
    %broadcast_in_dim3A = vector.shape_cast %rsqrt3A : vector<256xf32> to vector<256x1xf32>
    %get3A_7 = arith.constant 0 : index
    %get3A_8 = arith.constant 0 : index
    %get3A_9 = vector.load %arg1[%get3A_7, %get3A_8] : memref<256x128xf32, #tpu.memory_space<vmem>>, vector<256x128xf32>
    %get3A_10 = arith.constant 0 : index
    %get3A_11 = arith.constant 0 : index
    %get3A_12 = vector.load %arg3[%get3A_10, %get3A_11] : memref<128x16xf32, #tpu.memory_space<vmem>>, vector<128x16xf32>
    %dot_general3A = arith.constant dense<0.000000e+00> : vector<256x16xf32>
    %dot_general3A_13 = tpu.matmul %get3A_9, %get3A_12, %dot_general3A {dimension_numbers = #tpu.dot_dimension_numbers<[1], [0], [0], [1], [0, 0, 1, 1], [], []>, transpose_lhs_hint = false} : vector<256x128xf32>, vector<128x16xf32>, vector<256x16xf32> -> vector<256x16xf32>
    %mul3A = vector.broadcast %broadcast_in_dim3A : vector<256x1xf32> to vector<256x16xf32>
    %mul3A_14 = arith.mulf %dot_general3A_13, %mul3A : vector<256x16xf32>
    %swap3A = arith.constant 0 : index
    %swap3A_15 = arith.constant 0 : index
    %swap3A_16 = vector.load %arg4[%swap3A, %swap3A_15] : memref<256x16xf32, #tpu.memory_space<vmem>>, vector<256x16xf32>
    tpu.vector_store %arg4[%swap3A, %swap3A_15], %mul3A_14 {strides = array<i32>} : memref<256x16xf32, #tpu.memory_space<vmem>>, vector<256x16xf32>,
    %swap3A_17 = arith.constant 0 : index
    %swap3A_18 = arith.constant 0 : index
    %swap3A_19 = vector.load %arg5[%swap3A_17, %swap3A_18] : memref<256x1xf32, #tpu.memory_space<vmem>>, vector<256x1xf32>
    tpu.vector_store %arg5[%swap3A_17, %swap3A_18], %broadcast_in_dim3A {strides = array<i32>} : memref<256x1xf32, #tpu.memory_space<vmem>>, vector<256x1xf32>,
    return
  }
  func.func @transform_0(%arg0: i32) -> (i32, i32) {
    %c0_i32 = arith.constant 0 : i32
    %c0_i32_0 = arith.constant 0 : i32
    return %arg0, %c0_i32 : i32, i32
  }
  func.func @transform_1(%arg0: i32) -> (i32, i32) {
    %c0_i32 = arith.constant 0 : i32
    %c0_i32_0 = arith.constant 0 : i32
    return %c0_i32, %arg0 : i32, i32
  }
  func.func @transform_2(%arg0: i32) -> (i32, i32) {
    %c0_i32 = arith.constant 0 : i32
    %c0_i32_0 = arith.constant 0 : i32
    %c0_i32_1 = arith.constant 0 : i32
    return %c0_i32, %c0_i32_0 : i32, i32
  }
  func.func @transform_3(%arg0: i32) -> (i32, i32) {
    %c0_i32 = arith.constant 0 : i32
    %c0_i32_0 = arith.constant 0 : i32
    return %arg0, %c0_i32 : i32, i32
  }
  func.func @transform_4(%arg0: i32) -> (i32, i32) {
    %c0_i32 = arith.constant 0 : i32
    %c0_i32_0 = arith.constant 0 : i32
    return %arg0, %c0_i32 : i32, i32
  }
}

module attributes {stable_mosaic.version = 14 : i64} {
  func.func @_relu_kernel(%arg0: i32, %arg1: memref<2x256x16xf32, #tpu.memory_space<vmem>>, %arg2: memref<256x16xf32, #tpu.memory_space<vmem>>, %arg3: memref<256x1xf32, #tpu.memory_space<vmem>>, %arg4: memref<1x16xf32, #tpu.memory_space<vmem>>, %arg5: memref<256x16xf32, #tpu.memory_space<vmem>>) attributes {dimension_semantics = [#tpu.dimension_semantics<arbitrary>], iteration_bounds = array<i64: 40>, scalar_prefetch = 0 : i64, scratch_operands = 0 : i64, tpu.core_type = #tpu.core_type<tc>, window_params = [{transform_indices = @transform_0, window_bounds = array<i64: 2, 256, 16>}, {transform_indices = @transform_1, window_bounds = array<i64: 256, 16>}, {transform_indices = @transform_2, window_bounds = array<i64: 256, 1>}, {pipeline_mode = #tpu.pipeline_mode<synchronous>, transform_indices = @transform_3, window_bounds = array<i64: 1, 16>}, {transform_indices = @transform_4, window_bounds = array<i64: 256, 16>}]} {
    %get3A = arith.constant 0 : index
    %get3A_0 = arith.constant 0 : index
    %get3A_1 = arith.constant 0 : index
    %get3A_2 = vector.load %arg1[%get3A, %get3A_0, %get3A_1] : memref<2x256x16xf32, #tpu.memory_space<vmem>>, vector<2x256x16xf32>
    %get3A_3 = arith.constant 0 : index
    %get3A_4 = arith.constant 0 : index
    %get3A_5 = vector.load %arg3[%get3A_3, %get3A_4] : memref<256x1xf32, #tpu.memory_space<vmem>>, vector<256x1xf32>
    %slice3A = vector.extract_strided_slice %get3A_2 {offsets = [0, 0, 0], sizes = [1, 256, 16], strides = [1, 1, 1]} : vector<2x256x16xf32> to vector<1x256x16xf32>
    %squeeze3A = vector.shape_cast %slice3A : vector<1x256x16xf32> to vector<256x16xf32>
    %slice3A_6 = vector.extract_strided_slice %get3A_2 {offsets = [1, 0, 0], sizes = [1, 256, 16], strides = [1, 1, 1]} : vector<2x256x16xf32> to vector<1x256x16xf32>
    %squeeze3A_7 = vector.shape_cast %slice3A_6 : vector<1x256x16xf32> to vector<256x16xf32>
    %add3A = arith.addf %squeeze3A, %squeeze3A_7 : vector<256x16xf32>
    %get3A_8 = arith.constant 0 : index
    %get3A_9 = arith.constant 0 : index
    %get3A_10 = vector.load %arg2[%get3A_8, %get3A_9] : memref<256x16xf32, #tpu.memory_space<vmem>>, vector<256x16xf32>
    %sub3A = arith.subf %add3A, %get3A_10 : vector<256x16xf32>
    %mul3A = vector.broadcast %get3A_5 : vector<256x1xf32> to vector<256x16xf32>
    %mul3A_11 = arith.mulf %sub3A, %mul3A : vector<256x16xf32>
    %get3A_12 = arith.constant 0 : index
    %get3A_13 = arith.constant 0 : index
    %get3A_14 = vector.load %arg4[%get3A_12, %get3A_13] : memref<1x16xf32, #tpu.memory_space<vmem>>, vector<1x16xf32>
    %add3A_15 = vector.broadcast %get3A_14 : vector<1x16xf32> to vector<256x16xf32>
    %add3A_16 = arith.addf %mul3A_11, %add3A_15 : vector<256x16xf32>
    %max3A = arith.constant 0.000000e+00 : f32
    %max3A_17 = vector.broadcast %max3A : f32 to vector<256x16xf32>
    %max3A_18 = arith.maximumf %add3A_16, %max3A_17 : vector<256x16xf32>
    %mul3A_19 = vector.broadcast %get3A_5 : vector<256x1xf32> to vector<256x16xf32>
    %mul3A_20 = arith.mulf %max3A_18, %mul3A_19 : vector<256x16xf32>
    %swap3A = arith.constant 0 : index
    %swap3A_21 = arith.constant 0 : index
    %swap3A_22 = vector.load %arg5[%swap3A, %swap3A_21] : memref<256x16xf32, #tpu.memory_space<vmem>>, vector<256x16xf32>
    tpu.vector_store %arg5[%swap3A, %swap3A_21], %mul3A_20 {strides = array<i32>} : memref<256x16xf32, #tpu.memory_space<vmem>>, vector<256x16xf32>,
    return
  }
  func.func @transform_0(%arg0: i32) -> (i32, i32, i32) {
    %c0_i32 = arith.constant 0 : i32
    %c0_i32_0 = arith.constant 0 : i32
    %c0_i32_1 = arith.constant 0 : i32
    return %c0_i32, %arg0, %c0_i32_0 : i32, i32, i32
  }
  func.func @transform_1(%arg0: i32) -> (i32, i32) {
    %c0_i32 = arith.constant 0 : i32
    %c0_i32_0 = arith.constant 0 : i32
    return %arg0, %c0_i32 : i32, i32
  }
  func.func @transform_2(%arg0: i32) -> (i32, i32) {
    %c0_i32 = arith.constant 0 : i32
    %c0_i32_0 = arith.constant 0 : i32
    return %arg0, %c0_i32 : i32, i32
  }
  func.func @transform_3(%arg0: i32) -> (i32, i32) {
    %c0_i32 = arith.constant 0 : i32
    %c0_i32_0 = arith.constant 0 : i32
    %c0_i32_1 = arith.constant 0 : i32
    return %c0_i32, %c0_i32_0 : i32, i32
  }
  func.func @transform_4(%arg0: i32) -> (i32, i32) {
    %c0_i32 = arith.constant 0 : i32
    %c0_i32_0 = arith.constant 0 : i32
    return %arg0, %c0_i32 : i32, i32
  }
}

module attributes {stable_mosaic.version = 14 : i64} {
  func.func @_head_kernel(%arg0: i32, %arg1: memref<2x256x16xf32, #tpu.memory_space<vmem>>, %arg2: memref<256x16xf32, #tpu.memory_space<vmem>>, %arg3: memref<256x1xf32, #tpu.memory_space<vmem>>, %arg4: memref<16x40xf32, #tpu.memory_space<vmem>>, %arg5: memref<1x40xf32, #tpu.memory_space<vmem>>, %arg6: memref<256x40xf32, #tpu.memory_space<vmem>>) attributes {dimension_semantics = [#tpu.dimension_semantics<arbitrary>], iteration_bounds = array<i64: 40>, scalar_prefetch = 0 : i64, scratch_operands = 0 : i64, tpu.core_type = #tpu.core_type<tc>, window_params = [{transform_indices = @transform_0, window_bounds = array<i64: 2, 256, 16>}, {transform_indices = @transform_1, window_bounds = array<i64: 256, 16>}, {transform_indices = @transform_2, window_bounds = array<i64: 256, 1>}, {pipeline_mode = #tpu.pipeline_mode<synchronous>, transform_indices = @transform_3, window_bounds = array<i64: 16, 40>}, {pipeline_mode = #tpu.pipeline_mode<synchronous>, transform_indices = @transform_4, window_bounds = array<i64: 1, 40>}, {transform_indices = @transform_5, window_bounds = array<i64: 256, 40>}]} {
    %get3A = arith.constant 0 : index
    %get3A_0 = arith.constant 0 : index
    %get3A_1 = arith.constant 0 : index
    %get3A_2 = vector.load %arg1[%get3A, %get3A_0, %get3A_1] : memref<2x256x16xf32, #tpu.memory_space<vmem>>, vector<2x256x16xf32>
    %slice3A = vector.extract_strided_slice %get3A_2 {offsets = [0, 0, 0], sizes = [1, 256, 16], strides = [1, 1, 1]} : vector<2x256x16xf32> to vector<1x256x16xf32>
    %squeeze3A = vector.shape_cast %slice3A : vector<1x256x16xf32> to vector<256x16xf32>
    %slice3A_3 = vector.extract_strided_slice %get3A_2 {offsets = [1, 0, 0], sizes = [1, 256, 16], strides = [1, 1, 1]} : vector<2x256x16xf32> to vector<1x256x16xf32>
    %squeeze3A_4 = vector.shape_cast %slice3A_3 : vector<1x256x16xf32> to vector<256x16xf32>
    %add3A = arith.addf %squeeze3A, %squeeze3A_4 : vector<256x16xf32>
    %get3A_5 = arith.constant 0 : index
    %get3A_6 = arith.constant 0 : index
    %get3A_7 = vector.load %arg2[%get3A_5, %get3A_6] : memref<256x16xf32, #tpu.memory_space<vmem>>, vector<256x16xf32>
    %sub3A = arith.subf %add3A, %get3A_7 : vector<256x16xf32>
    %get3A_8 = arith.constant 0 : index
    %get3A_9 = arith.constant 0 : index
    %get3A_10 = vector.load %arg3[%get3A_8, %get3A_9] : memref<256x1xf32, #tpu.memory_space<vmem>>, vector<256x1xf32>
    %mul3A = vector.broadcast %get3A_10 : vector<256x1xf32> to vector<256x16xf32>
    %mul3A_11 = arith.mulf %sub3A, %mul3A : vector<256x16xf32>
    %get3A_12 = arith.constant 0 : index
    %get3A_13 = arith.constant 0 : index
    %get3A_14 = vector.load %arg4[%get3A_12, %get3A_13] : memref<16x40xf32, #tpu.memory_space<vmem>>, vector<16x40xf32>
    %dot_general3A = arith.constant dense<0.000000e+00> : vector<256x40xf32>
    %dot_general3A_15 = tpu.matmul %mul3A_11, %get3A_14, %dot_general3A {dimension_numbers = #tpu.dot_dimension_numbers<[1], [0], [0], [1], [0, 0, 1, 1], [], []>, transpose_lhs_hint = false} : vector<256x16xf32>, vector<16x40xf32>, vector<256x40xf32> -> vector<256x40xf32>
    %get3A_16 = arith.constant 0 : index
    %get3A_17 = arith.constant 0 : index
    %get3A_18 = vector.load %arg5[%get3A_16, %get3A_17] : memref<1x40xf32, #tpu.memory_space<vmem>>, vector<1x40xf32>
    %add3A_19 = vector.broadcast %get3A_18 : vector<1x40xf32> to vector<256x40xf32>
    %add3A_20 = arith.addf %dot_general3A_15, %add3A_19 : vector<256x40xf32>
    %reduce_max3A = arith.constant dense<0xFF800000> : vector<256xf32>
    %reduce_max3A_21 = vector.multi_reduction <maximumf>, %add3A_20, %reduce_max3A [1] : vector<256x40xf32> to vector<256xf32>
    %broadcast_in_dim3A = vector.shape_cast %reduce_max3A_21 : vector<256xf32> to vector<256x1xf32>
    %sub3A_22 = vector.broadcast %broadcast_in_dim3A : vector<256x1xf32> to vector<256x40xf32>
    %sub3A_23 = arith.subf %add3A_20, %sub3A_22 : vector<256x40xf32>
    %exp3A = math.exp %sub3A_23 : vector<256x40xf32>
    %reduce_sum3A = arith.constant dense<0.000000e+00> : vector<256xf32>
    %reduce_sum3A_24 = vector.multi_reduction <add>, %exp3A, %reduce_sum3A [1] : vector<256x40xf32> to vector<256xf32>
    %broadcast_in_dim3A_25 = vector.shape_cast %reduce_sum3A_24 : vector<256xf32> to vector<256x1xf32>
    %log3A = math.log %broadcast_in_dim3A_25 : vector<256x1xf32>
    %sub3A_26 = vector.broadcast %broadcast_in_dim3A : vector<256x1xf32> to vector<256x40xf32>
    %sub3A_27 = arith.subf %add3A_20, %sub3A_26 : vector<256x40xf32>
    %sub3A_28 = vector.broadcast %log3A : vector<256x1xf32> to vector<256x40xf32>
    %sub3A_29 = arith.subf %sub3A_27, %sub3A_28 : vector<256x40xf32>
    %swap3A = arith.constant 0 : index
    %swap3A_30 = arith.constant 0 : index
    %swap3A_31 = vector.load %arg6[%swap3A, %swap3A_30] : memref<256x40xf32, #tpu.memory_space<vmem>>, vector<256x40xf32>
    tpu.vector_store %arg6[%swap3A, %swap3A_30], %sub3A_29 {strides = array<i32>} : memref<256x40xf32, #tpu.memory_space<vmem>>, vector<256x40xf32>,
    return
  }
  func.func @transform_0(%arg0: i32) -> (i32, i32, i32) {
    %c0_i32 = arith.constant 0 : i32
    %c0_i32_0 = arith.constant 0 : i32
    %c0_i32_1 = arith.constant 0 : i32
    return %c0_i32, %arg0, %c0_i32_0 : i32, i32, i32
  }
  func.func @transform_1(%arg0: i32) -> (i32, i32) {
    %c0_i32 = arith.constant 0 : i32
    %c0_i32_0 = arith.constant 0 : i32
    return %arg0, %c0_i32 : i32, i32
  }
  func.func @transform_2(%arg0: i32) -> (i32, i32) {
    %c0_i32 = arith.constant 0 : i32
    %c0_i32_0 = arith.constant 0 : i32
    return %arg0, %c0_i32 : i32, i32
  }
  func.func @transform_3(%arg0: i32) -> (i32, i32) {
    %c0_i32 = arith.constant 0 : i32
    %c0_i32_0 = arith.constant 0 : i32
    %c0_i32_1 = arith.constant 0 : i32
    return %c0_i32, %c0_i32_0 : i32, i32
  }
  func.func @transform_4(%arg0: i32) -> (i32, i32) {
    %c0_i32 = arith.constant 0 : i32
    %c0_i32_0 = arith.constant 0 : i32
    %c0_i32_1 = arith.constant 0 : i32
    return %c0_i32, %c0_i32_0 : i32, i32
  }
  func.func @transform_5(%arg0: i32) -> (i32, i32) {
    %c0_i32 = arith.constant 0 : i32
    %c0_i32_0 = arith.constant 0 : i32
    return %arg0, %c0_i32 : i32, i32
  }
}

</mosaic_0001>

<sc_bundles>
// kernel: kernel.11.cloned.1.call-start
scs
__scs_entry_jumppad:
0x0: {  	(pc) =	sbr.rel $0x88, $3  }
0x1: {  	(tag) =	ssettag $0x0;
	lr =	simm.s32 $0x1  }
0x2: {  	[smem:$0x3F9B] =	sst lr;
	_ =	strace $0xD0000000  }
0x3: {  	_ = 	snop  }
0x4: {  	_ = 	snop  }
0x5: {  	_ = 	snop  }
0x6: {  	_ = 	snop  }
0x7: {  	_ = 	snop  }
__scs_overlays_trampoline_lowered:
0x8: {  	[smem:$0x3FAA] =	sst s0  }
0x9: {  	[smem:$0x3FAB] =	sst s1  }
0xa: {  	[smem:$0x3FAC] =	sst s2  }
0xb: {  	[smem:$0x3FAD] =	sst s3  }
0xc: {  	[smem:$0x3FAE] =	sst s4  }
0xd: {  	[smem:$0x3FAF] =	sst s5  }
0xe: {  	[smem:$0x3FB0] =	sst s6  }
0xf: {  	[smem:$0x3FB1] =	sst s7  }
0x10: {  	[smem:$0x3FB2] =	sst s8  }
0x11: {  	[smem:$0x3FB3] =	sst s9;
	s0 =	simm.s32 @!p0 $0x0  }
0x12: {  	s1 =	sld [smem:$0x3F99];
	s0 =	simm.s32 @p0 $0x1  }
0x13: {  	[smem:$0x3FB4] =	sst s0;
	s0 =	simm.s32 @!p1 $0x0  }
0x14: {  	s2 =	sld [smem:$0x3F98];
	s0 =	simm.s32 @p1 $0x1  }
0x15: {  	[smem:$0x3FB5] =	sst s0;
	s0 =	simm.s32 @!p2 $0x0  }
0x16: {  	s3 =	sld [smem:$0x3FDB];
	s0 =	simm.s32 @p2 $0x1  }
0x17: {  	s4 =	simm.s32 $0x1BF5;
	[smem:$0x3FB7] =	sst s0  }
0x18: {  	s0 =	sld [smem:$0x3F9A];
	_ =	swait.ge [sflag:s4], $0x0  }
0x19: {  	s7 =	sld [smem:$0x3F9B]  }
0x1a: {  	s8 =	sadd.s32 $0xFFFFE003, lr  }
0x1b: {  	s9 =	sadd.s32 $0xFFFFFEF7, lr;
	s5 =	simm.s32 $0xFFFFFFFF;
	p2 =	slt.u32 s8, $0xFFFFF086  }
0x1c: {  	p1 =	slt.u32 s9, $0xF7A;
	s5 =	simm.s32 @!p2 $0x0  }
0x1d: {  	s5 =	simm.s32 @p1 $0x1;
	p0 =	seq.s32 s7, s2  }
0x1e: {  	s7 =	smul.u32 @!p0 $0xF7A, s2;
	p2 =	seq.s32 @!p0 s5, $0x0  }
0x1f: {  	s9 =	smul.u32 $0xF7A, s1;
	s8 =	simm.s32 @!p0 $0x1BF5;
	p2 =	por !p2, p0  }
0x20: {  	[sflag:s8] =	ssyncset.s32 @!p0 $0xFFFFF086;
	s6 =	sadd.s32 @!p0 s3, s7;
	s7 =	simm.s32 @!p0 $0x108  }
0x21: {  	s3 =	sadd.s32 s3, s9;
	s6 =	sadd.s32 @!p0 $0x88, s6;
	s7 =	simm.s32 @p2 $0x1082  }
0x22: {  	[simem:s7], [sflag:s8] =	dma.local @!p0 [hbm:s6], $0xF7A  }
0x23: {  	s9 =	sor.u32 $0xD0000000, s2;
	s6 =	simm.s32 $0x108;
	_ =	swait.ge @!p0 [sflag:s8], $0x0  }
0x24: {  	s3 =	sadd.s32 $0x88, s3;
	s6 =	simm.s32 @!p1 $0x1082;
	[sflag:s4] =	ssyncset.s32 $0xFFFFF086  }
0x25: {  	[simem:s6], [sflag:s4] =	dma.local [hbm:s3], $0xF7A  }
0x26: {  	[smem:$0x3F9B] =	sst s1;
	(tag) =	ssettag s2;
	_ =	strace s9  }
0x27: {  	s1 =	sld [smem:$0x3FAB]  }
0x28: {  	s2 =	sld [smem:$0x3FAC]  }
0x29: {  	s4 =	sld [smem:$0x3FAE]  }
0x2a: {  	p0 =	seq.s32 s5, $0x0;
	s5 =	sld [smem:$0x3FAF]  }
0x2b: {  	s6 =	sld [smem:$0x3FB0]  }
0x2c: {  	s7 =	sld [smem:$0x3FB1]  }
0x2d: {  	s3 =	simm.s32 $0x108;
	s8 =	sld [smem:$0x3FB2]  }
0x2e: {  	s3 =	simm.s32 @!p0 $0x1082;
	s9 =	sld [smem:$0x3FB3]  }
0x2f: {  	lr =	sadd.s32 s0, s3;
	s0 =	sld [smem:$0x3FAA]  }
0x30: {  	s3 =	sld [smem:$0x3FAD]  }
0x31: {  	[smem:$0x3FB6] =	sst s10  }
0x32: {  	s10 =	sld [smem:$0x3FB4];
	_ =	sdelay $0x3  }
0x33: {  	p0 =	seq.s32 s10, $0x1;
	s10 =	sld [smem:$0x3FB6];
	_ =	sdelay $0x3  }
0x34: {  	[smem:$0x3FB6] =	sst s10  }
0x35: {  	s10 =	sld [smem:$0x3FB5];
	_ =	sdelay $0x3  }
0x36: {  	p1 =	seq.s32 s10, $0x1;
	s10 =	sld [smem:$0x3FB6];
	_ =	sdelay $0x3  }
0x37: {  	[smem:$0x3FB6] =	sst s10  }
0x38: {  	s10 =	sld [smem:$0x3FB7]  }
0x39: {  	_ = 	snop;
	(pc) =	sbr.ind lr, $3  }
0x3a: {  	_ = 	snop  }
0x3b: {  	_ = 	snop  }
0x3c: {  	p2 =	seq.s32 s10, $0x1;
	s10 =	sld [smem:$0x3FB6]  }
0x3d: {  	_ =	shalt  }
0x3e: {  	_ =	shalt  }
0x3f: {  	_ =	shalt  }
0x40: {  	_ =	shalt  }
0x41: {  	_ =	shalt  }
0x42: {  	_ =	shalt  }
0x43: {  	_ =	shalt  }
0x44: {  	_ =	shalt  }
0x45: {  	_ =	shalt  }
0x46: {  	_ =	shalt  }
0x47: {  	_ =	shalt  }
0x48: {  	_ =	shalt  }
0x49: {  	_ =	shalt  }
0x4a: {  	_ =	shalt  }
0x4b: {  	_ =	shalt  }
0x4c: {  	_ =	shalt  }
0x4d: {  	_ =	shalt  }
0x4e: {  	_ =	shalt  }
0x4f: {  	_ =	shalt  }
0x50: {  	_ =	shalt  }
0x51: {  	_ =	shalt  }
0x52: {  	_ =	shalt  }
0x53: {  	_ =	shalt  }
0x54: {  	_ =	shalt  }
0x55: {  	_ =	shalt  }
0x56: {  	_ =	shalt  }
0x57: {  	_ =	shalt  }
0x58: {  	_ =	shalt  }
0x59: {  	_ =	shalt  }
0x5a: {  	_ =	shalt  }
0x5b: {  	_ =	shalt  }
0x5c: {  	_ =	shalt  }
0x5d: {  	_ =	shalt  }
0x5e: {  	_ =	shalt  }
0x5f: {  	_ =	shalt  }
0x60: {  	_ =	shalt  }
0x61: {  	_ =	shalt  }
0x62: {  	_ =	shalt  }
0x63: {  	_ =	shalt  }
0x64: {  	_ =	shalt  }
0x65: {  	_ =	shalt  }
0x66: {  	_ =	shalt  }
0x67: {  	_ =	shalt  }
0x68: {  	_ =	shalt  }
0x69: {  	_ =	shalt  }
0x6a: {  	_ =	shalt  }
0x6b: {  	_ =	shalt  }
0x6c: {  	_ =	shalt  }
0x6d: {  	_ =	shalt  }
0x6e: {  	_ =	shalt  }
0x6f: {  	_ =	shalt  }
0x70: {  	_ =	shalt  }
0x71: {  	_ =	shalt  }
0x72: {  	_ =	shalt  }
0x73: {  	_ =	shalt  }
0x74: {  	_ =	shalt  }
0x75: {  	_ =	shalt  }
0x76: {  	_ =	shalt  }
0x77: {  	_ =	shalt  }
0x78: {  	_ =	shalt  }
0x79: {  	_ =	shalt  }
0x7a: {  	_ =	shalt  }
0x7b: {  	_ =	shalt  }
0x7c: {  	_ =	shalt  }
0x7d: {  	_ =	shalt  }
0x7e: {  	_ =	shalt  }
0x7f: {  	_ =	shalt  }
0x80: {  	_ =	shalt  }
0x81: {  	_ =	shalt  }
0x82: {  	_ =	shalt  }
0x83: {  	_ =	shalt  }
0x84: {  	_ =	shalt  }
0x85: {  	_ =	shalt  }
0x86: {  	_ =	shalt  }
0x87: {  	_ =	shalt  }
.Lfunc_end0:
.L_simem_size_0:
called_computation.1_lowered:
.L_overlay_start_0:
0x88: {  	s2 =	sld [smem:$0x3FD9]  }
0x89: {  	s3 =	sld [smem:$0x3FFE];
	_ =	sdelay $0x1  }
0x8a: {  	s1 =	srdreg.scid  }
0x8b: {  	s0 =	sand.u32 $0x1, s1  }
0x8c: {  	s17 =	sshll.u32 s0, $0xA;
	s2 =	sadd.s32 s3, s2  }
0x8d: {  	s2 =	sadd.s32 s2, s17  }
0x8e: {  	[smem:$0x3FC2] =	sst s2  }
0x8f: {  	_ = 	snop  }
0x90: {  	s2 =	sld [smem:$0x3FD0];
	(tm) =	ssettm $0x1  }
0x91: {  	s18 =	sld [smem:$0x3FFB];
	_ =	sdelay $0x3  }
0x92: {  	_ =	strace s18  }
0x93: {  	s3 =	sld [smem:$0x3FFC];
	_ =	sdelay $0x3  }
0x94: {  	_ =	strace s3  }
0x95: {  	s3 =	sld [smem:$0x3FFD];
	_ =	sdelay $0x3  }
0x96: {  	_ =	strace s3  }
0x97: {  	_ =	strace $0x8FFFFFFF  }
0x98: {  	s19 =	sld [smem:$0x3FDB];
	_ =	sdelay $0x1  }
0x99: {  	s4 =	simm.s32 $_scs_section_size  }
0x9a: {  	s5 =	simm.s32 $_size__tile_overlayer_lowered;
	s6 =	simm.s32 $_tile_overlayer_lowered  }
0x9b: {  	s22 =	simm.s32 $0x1BFF;
	s21 =	sshll.u32 s6, $0x1;
	s3 =	sadd.s32 s4, s19  }
0x9c: {  	s7 =	simm.s32 $0x0;
	s20 =	sshll.u32 s5, $0x1;
	s5 =	sadd.s32 s21, s3  }
0x9d: {  	[timem:s7], [sflag:s22] =	dma.local [hbm:s5], s20  }
0x9e: {  	_ =	swait.ge [sflag:s22], s20  }
0x9f: {  	s4 =	ssub.s32 $0x0, s20;
	[sflag:s22] =	ssyncset.done $0x0  }
0xa0: {  	[sflag:s22] =	ssyncadd.s32 s4;
	_ =	sdelay $0x1  }
0xa1: {  	s23 =	simm.s32 $0x1B8B  }
0xa2: {  	_ =	swait.ge [sflag:s23], $0x1  }
0xa3: {  	[sflag:s23] =	ssyncset.done $0x0  }
0xa4: {  	s25 =	simm.s32 $0x1B8E;
	s24 =	sld [smem:$0x3FFE];
	[sflag:s23] =	ssyncadd.s32 $0xFFFFFFFF  }
0xa5: {  	s26 =	simm.s32 $execute0_lowered;
	[smem:$0x3FD2] =	sst s25  }
0xa6: {  	s5 =	sshll.u32 s26, $0x1;
	_ =	strace $0x80000049;
	[dreg:$0x1] =	wrdreg $0xFFFFFFFF  }
0xa7: {  	s28 =	simm.s32 $_size_execute0_lowered;
	s3 =	sadd.s32 s3, s5;
	[dreg:$0x0] =	wrdreg $0x0  }
0xa8: {  	s5 =	sshll.u32 s28, $0x1;
	[dreg:$0x2] =	wrdreg s3  }
0xa9: {  	[dreg:$0x3] =	wrdreg s5  }
0xaa: {  	[dreg:$0x4] =	wrdreg $0xC0  }
0xab: {  	_ =	task [dreg:s7], $0x5FFFF  }
0xac: {  	[dreg:$0x1] =	wrdreg $0xFFFFFFFF  }
0xad: {  	[dreg:$0x0] =	wrdreg $0x60  }
0xae: {  	[dreg:$0x2] =	wrdreg s24  }
0xaf: {  	[dreg:$0x3] =	wrdreg s2  }
0xb0: {  	[dreg:$0x4] =	wrdreg $0x6F000  }
0xb1: {  	[dreg:$0x5] =	wrdreg $0x9  }
0xb2: {  	_ =	task.clear_ibuf [dreg:s7], $0x6FFFF;
	_ =	strace $0x90000049  }
0xb3: {  	s29 =	simm.s32 $0x9;
	_ =	strace $0x8000004B  }
0xb4: {  	_ =	swait.ge [sflag:s29], $0x1  }
0xb5: {  	[sflag:s29] =	ssyncadd.s32 $0xFFFFFFFF  }
0xb6: {  	_ =	strace $0x9000004B  }
0xb7: {  	_ =	sfence  }
0xb8: {  	s30 =	sld [smem:$0x0];
	_ =	sdelay $0x2  }
0xb9: {  	s31 =	sshll.u32 s1, $0xD;
	s1 =	sshrl.u32 s1, $0x2  }
0xba: {  	s3 =	sand.u32 $0x4000, s31;
	s1 =	sadd.s32 s1, s30  }
0xbb: {  	s0 =	sor.u32 s3, s0;
	s1 =	sshll.u32 s1, $0x11  }
0xbc: {  	s0 =	sor.u32 s1, s0  }
0xbd: {  	s0 =	sadd.s32 $0x8F2B, s0  }
0xbe: {  	[sflag:s0] =	ssyncadd.remote.s32 $0x1  }
0xbf: {  	_ =	sfence.sel $0xFFFF  }
0xc0: {  	[dreg:$0x0] =	wrdreg $0xFFFFFFFF;
	(pc) =	sbr.abs _section_cstart, $3  }
0xc1: {  	[dreg:$0x1] =	wrdreg $0xFFFFFFFF  }
0xc2: {  	_ =	task.clear_ibuf [dreg:s7], $0x2FFFF;
	_ =	strace $0x9FFFFFFF  }
0xc3: {  	(tm) =	ssettm $0x7FFFFFFF  }
tec
execute0_lowered:
.L_overlay_start_1:
0x0: {  	(tag) =	ssettag $0x1  }
0x1: {  	s3 =	rddreg [dreg:$0x0]  }
0x2: {  	s0 =	srdreg.scid;
	s6 =	rddreg [dreg:$0x1]  }
0x3: {  	s8 =	stileid.u32;
	s1 =	rddreg [dreg:$0x2];
	s9 =	simm.s32 $0x2780  }
0x4: {  	s11 =	simm.s32 $0x80;
	s12 =	simm.s32 $0x4F00;
	s13 =	simm.s32 $0x5700  }
0x5: {  	s16 =	simm.s32 $0x1;
	s19 =	simm.s32 $0x2;
	s21 =	simm.s32 $0x8  }
0x6: {  	s22 =	simm.s32 $0x5;
	s23 =	simm.s32 $0x6;
	s0 =	sand.u32 $0x1, s0  }
0x7: {  	s24 =	simm.s32 $0x7;
	p0 =	sne.s32 s8, $0x0;
	s2 =	sshll.u32 s0, $0x4  }
0x8: {  	s29 =	ssub.s32 $0x2, s0;
	s0 =	smul.u32 $0x5000, s0;
	s4 =	sor.u32 s8, s2  }
0x9: {  	s25 =	simm.s32 $0x0;
	s10 =	sshrl.u32 @!p0 s1, $0x3;
	s4 =	smul.u32 $0x4F0, s4  }
0xa: {  	s2 =	simm.s32 $0x0;
	s7 =	sshrl.u32 s29, $0x1;
	s8 =	simm.s32 $0x9  }
0xb: {  	[smem:$0x7FF] =	sst s2;
	s0 =	sadd.s32 s6, s0;
	s5 =	sadd.s32 s4, s3  }
0xc: {  	_ =	strace $0x8000004A;
	[dreg:$0x6] =	wrdreg s0;
	s30 =	sadd.s32 $0xBC00, s5  }
0xd: {  	s7 =	ssub.s32 s29, s7;
	s31 =	sadd.s32 $0x1800, s5;
	[dreg:$0x4] =	wrdreg s30  }
0xe: {  	s7 =	smax.u32 s7, $0x1;
	s3 =	sadd.s32 $0x15A00, s3;
	[dreg:$0x5] =	wrdreg s31  }
.LBB2_1:
0xf: {  	s0 =	rddreg [dreg:$0x4]  }
0x10: {  	[tilespmem:s2], [sflag:$0x9] =	stream.linear.gather [hbm4b:s0+s2], $0x2780, $0x38;
	[tilespmem:$0x9700] =	vst v63  }
0x11: {  	_ =	swait.ge [sflag:s8], $0x2780  }
0x12: {  	[sflag:s8] =	ssyncset.done $0x0  }
0x13: {  	s5 =	rddreg [dreg:$0x5];
	[sflag:s8] =	ssyncadd.s32 $0xFFFFD880  }
0x14: {  	[tilespmem:s9], [sflag:$0x9] =	stream.linear.gather [hbm4b:s5+s2], $0x2780, $0x38;
	[tilespmem:$0x9700] =	vst v63  }
0x15: {  	_ =	swait.ge [sflag:s8], $0x2780  }
0x16: {  	[sflag:s8] =	ssyncset.done $0x0  }
0x17: {  	s0 =	simm.s32 @!p0 $0x1C09;
	[sflag:s8] =	ssyncadd.s32 $0xFFFFD880  }
0x18: {  	[spmem:s10], [sflag:s0] =	dma.local @!p0 [hbm:s3], $0x5000  }
0x19: {  	s0 =	simm.s32 @!p0 $0x9  }
0x1a: {  	_ =	swait.ge @!p0 [sflag:s0], $0x5000  }
0x1b: {  	[sflag:s0] =	ssyncset.done @!p0 $0x0  }
0x1c: {  	[sflag:s0] =	ssyncadd.s32 @!p0 $0xFFFFB000  }
0x1d: {  	[bflag:$0x0] =	sbarrier.arrive $0xFFFF  }
0x1e: {  	[tilespmem:s12], [sflag:$0x1] =	stream.indirect.gather [hbm4b:s3+s11], $0x10, s2, s11, $0xb8;
	[tilespmem:$0x9700] =	vst v63  }
0x1f: {  	_ = 	snop  }
0x20: {  	[tilespmem:s13], [sflag:$0x2] =	stream.indirect.gather [hbm4b:s3+s11], $0x10, s11, s11, $0xb8;
	[tilespmem:$0x9700] =	vst v63  }
0x21: {  	s6 =	simm.s32 $0x100;
	s4 =	simm.s32 $0x5F00  }
0x22: {  	[tilespmem:s4], [sflag:$0x3] =	stream.indirect.gather [hbm4b:s3+s11], $0x10, s6, s11, $0xb8;
	[tilespmem:$0x9700] =	vst v63  }
0x23: {  	_ =	swait.ge [sflag:s16], $0x800  }
0x24: {  	[sflag:s16] =	ssyncset.done $0x0  }
0x25: {  	s14 =	simm.s32 $0x180;
	s15 =	simm.s32 $0x6700;
	[sflag:s16] =	ssyncadd.s32 $0xFFFFF800  }
0x26: {  	[spmem:s1] =	stream.indirect.scatter.add.f32 [tilespmem:s12], [sflag:$0x5], $0x10, s9, s11, $0xb8;
	[tilespmem:$0x9700] =	vst v63  }
0x27: {  	s17 =	simm.s32 $0x2800;
	p1 =	por $0x0, $0x0;
	s30 =	simm.s32 $0x5  }
0x28: {  	[tilespmem:s15], [sflag:$0x4] =	stream.indirect.gather [hbm4b:s3+s11], $0x10, s14, s11, $0xb8;
	[tilespmem:$0x9700] =	vst v63  }
0x29: {  	s31 =	simm.s32 $0x3;
	s0 =	simm.s32 $0x4;
	_ =	swait.ge [sflag:s19], $0x800  }
0x2a: {  	s26 =	simm.s32 $0x2900;
	s0 =	sand.u32 @!p1 $0x3, s0;
	[sflag:s19] =	ssyncset.done $0x0  }
0x2b: {  	s28 =	sand.u32 $0x3, s31;
	s18 =	sadd.s32 @!p1 $0x5, s0;
	[sflag:s19] =	ssyncadd.s32 $0xFFFFF800  }
0x2c: {  	[spmem:s1] =	stream.indirect.scatter.add.f32 [tilespmem:s13], [sflag:$0x6], $0x10, s17, s11, $0xb8;
	[tilespmem:$0x9700] =	vst v63  }
0x2d: {  	s15 =	simm.s32 $0x2880;
	s14 =	simm.s32 $0x200;
	s17 =	simm.s32 $0x2  }
0x2e: {  	s20 =	sand.u32 $0x3, s17;
	s17 =	sshll.u32 @!p1 s0, $0xB;
	_ =	swait.ge @!p1 [sflag:s18], $0x800  }
0x2f: {  	s0 =	sadd.s32 @!p1 $0x1, s0;
	s17 =	sadd.s32 @!p1 $0x4F00, s17;
	[sflag:s18] =	ssyncset.done @!p1 $0x0  }
0x30: {  	s29 =	sadd.s32 $0x1, s20;
	[sflag:s18] =	ssyncadd.s32 @!p1 $0xFFFFF800;
	s18 =	simm.s32 @!p1 $0x80  }
0x31: {  	[tilespmem:s17], [sflag:s0] =	stream.indirect.gather @!p1 [hbm4b:s3+s18], $0x10, s14, s18, $0xb8;
	[tilespmem:$0x9700] =	vst v63  }
0x32: {  	s18 =	sshll.u32 s20, $0xB;
	s14 =	simm.s32 $0x6;
	_ =	swait.ge [sflag:s29], $0x800  }
0x33: {  	s0 =	sshll.u32 s28, $0xB;
	s17 =	sadd.s32 $0x4F00, s18;
	[sflag:s29] =	ssyncset.done $0x0  }
0x34: {  	s18 =	sadd.s32 $0x5, s20;
	[sflag:s29] =	ssyncadd.s32 $0xFFFFF800;
	s29 =	simm.s32 $0x280  }
.LBB2_2:
0x35: {  	[spmem:s1] =	stream.indirect.scatter.add.f32 [tilespmem:s17], [sflag:s18], $0x10, s15, s11, $0xb8;
	[tilespmem:$0x9700] =	vst v63  }
0x36: {  	s15 =	smov.u32 s14;
	s18 =	smov.u32 s28;
	s17 =	smov.u32 s0  }
0x37: {  	s14 =	sadd.s32 $0x1, s14;
	p2 =	sgt.u32 s31, $0x4C;
	s31 =	sadd.s32 $0xFFFFFFFE, s15  }
0x38: {  	p1 =	sne.s32 s14, $0x51;
	s0 =	sand.u32 @!p2 $0x3, s30;
	s28 =	sand.u32 $0x3, s31  }
0x39: {  	s20 =	sadd.s32 @!p2 $0x5, s0;
	s30 =	sshll.u32 @!p2 s0, $0xB;
	s4 =	sadd.s32 @!p2 $0x1, s0  }
0x3a: {  	s0 =	sshll.u32 s28, $0xB;
	s5 =	sadd.s32 @!p2 $0x4F00, s30;
	_ =	swait.ge @!p2 [sflag:s20], $0x800  }
0x3b: {  	s6 =	sadd.s32 $0x1, s18;
	s30 =	smov.u32 s15;
	[sflag:s20] =	ssyncset.done @!p2 $0x0  }
.Ltmp0:
0x3c: {  	s15 =	simm.s32 @!p2 $0x80;
	[sflag:s20] =	ssyncadd.s32 @!p2 $0xFFFFF800;
	(pc) =	sbr.rel @p1 .LBB2_2-.Ltmp0, $4  }
0x3d: {  	[tilespmem:s5], [sflag:s4] =	stream.indirect.gather @!p2 [hbm4b:s3+s15], $0x10, s29, s15, $0xb8;
	[tilespmem:$0x9700] =	vst v63  }
0x3e: {  	s15 =	smov.u32 s26;
	_ =	swait.ge [sflag:s6], $0x800  }
0x3f: {  	s26 =	sadd.s32 $0x80, s26;
	s29 =	sadd.s32 $0x80, s29;
	[sflag:s6] =	ssyncset.done $0x0  }
0x40: {  	s17 =	sadd.s32 $0x4F00, s17;
	s18 =	sadd.s32 $0x5, s18;
	[sflag:s6] =	ssyncadd.s32 $0xFFFFF800  }
0x41: {  	[spmem:s1] =	stream.indirect.scatter.add.f32 [tilespmem:s17], [sflag:s18], $0x10, s15, s11, $0xb8;
	[tilespmem:$0x9700] =	vst v63  }
0x42: {  	p1 =	sgt.u32 s31, $0x4C  }
0x43: {  	s4 =	sand.u32 @!p1 $0x3, s30  }
0x44: {  	s5 =	sadd.s32 @!p1 $0x5, s4  }
0x45: {  	s14 =	sadd.s32 $0x1, s28;
	_ =	swait.ge @!p1 [sflag:s5], $0x800  }
0x46: {  	s6 =	sshll.u32 @!p1 s4, $0xB;
	s4 =	sadd.s32 @!p1 $0x1, s4;
	[sflag:s5] =	ssyncset.done @!p1 $0x0  }
0x47: {  	s6 =	sadd.s32 @!p1 $0x4F00, s6;
	[sflag:s5] =	ssyncadd.s32 @!p1 $0xFFFFF800;
	s5 =	simm.s32 @!p1 $0x80  }
0x48: {  	[tilespmem:s6], [sflag:s4] =	stream.indirect.gather @!p1 [hbm4b:s3+s5], $0x10, s29, s5, $0xb8;
	[tilespmem:$0x9700] =	vst v63  }
0x49: {  	_ =	swait.ge [sflag:s14], $0x800  }
0x4a: {  	[sflag:s14] =	ssyncset.done $0x0  }
0x4b: {  	s0 =	sadd.s32 $0x4F00, s0;
	s31 =	sadd.s32 $0x5, s28;
	[sflag:s14] =	ssyncadd.s32 $0xFFFFF800  }
0x4c: {  	[spmem:s1] =	stream.indirect.scatter.add.f32 [tilespmem:s0], [sflag:s31], $0x10, s26, s11, $0xb8;
	[tilespmem:$0x9700] =	vst v63  }
0x4d: {  	_ =	swait.ge [sflag:s21], $0x800  }
0x4e: {  	[sflag:s21] =	ssyncset.done $0x0  }
0x4f: {  	[sflag:s21] =	ssyncadd.s32 $0xFFFFF800  }
0x50: {  	_ =	swait.ge [sflag:s22], $0x800  }
0x51: {  	[sflag:s22] =	ssyncset.done $0x0  }
0x52: {  	[sflag:s22] =	ssyncadd.s32 $0xFFFFF800  }
0x53: {  	_ =	swait.ge [sflag:s23], $0x800  }
0x54: {  	[sflag:s23] =	ssyncset.done $0x0  }
0x55: {  	[sflag:s23] =	ssyncadd.s32 $0xFFFFF800  }
0x56: {  	_ =	swait.ge [sflag:s24], $0x800  }
0x57: {  	[sflag:s24] =	ssyncset.done $0x0  }
0x58: {  	[sflag:s24] =	ssyncadd.s32 $0xFFFFF800  }
0x59: {  	s25 =	sadd.s32 $0x1, s25;
	[bflag:$0x0] =	sbarrier.arrive $0xFFFF  }
0x5a: {  	p1 =	sne.s32 s25, s7;
	s0 =	simm.s32 @!p0 $0x1C09;
	s4 =	rddreg [dreg:$0x6]  }
0x5b: {  	[hbm:s4], [sflag:s0] =	dma.local @!p0 [spmem:s10], $0x5000  }
.Ltmp1:
0x5c: {  	_ = 	snop;
	(pc) =	sbr.rel @p1 .LBB2_1-.Ltmp1, $4  }
0x5d: {  	s0 =	simm.s32 @!p0 $0x9  }
0x5e: {  	_ =	swait.ge @!p0 [sflag:s0], $0x5000  }
0x5f: {  	[sflag:s0] =	ssyncset.done @!p0 $0x0  }
0x60: {  	[sflag:s0] =	ssyncadd.s32 @!p0 $0xFFFFB000  }
0x61: {  	_ =	sfence.sel $0x180000  }
0x62: {  	[bflag:$0x0] =	sbarrier.arrive $0xFFFF  }
0x63: {  	_ =	strace $0x9000004A  }
0x64: {  	[bflag:$0x2] =	sbarrier.arrive $0xFFFF  }
0x65: {  	s0 =	rddreg [dreg:$0x3]  }
0x66: {  	s0 =	sadd.s32 @!p0 $0x100000, s0  }
0x67: {  	[sflag:s0] =	ssyncadd.tile.s32 @!p0 $0x1;
	_ =	shalt  }
.Lfunc_end2:
_tile_overlayer_lowered:
.L_overlay_start_2:
0x68: {  	(tag) =	ssettag $0x2  }
0x69: {  	s0 =	rddreg [dreg:$0x0];
	s2 =	stileid.u32  }
0x6a: {  	s1 =	rddreg [dreg:$0x1];
	p0 =	sne.s32 s2, $0x0  }
0x6b: {  	s3 =	rddreg [dreg:$0x2];
	[bflag:$0x3] =	sbarrier.arrive $0xFFFF;
	s2 =	simm.s32 @!p0 $0x1C09  }
0x6c: {  	[timem:s3], [sflag:s2] =	dma.local @!p0 [hbm:s0], s1  }
0x6d: {  	s0 =	simm.s32 @!p0 $0x9  }
0x6e: {  	_ =	swait.ge @!p0 [sflag:s0], s1  }
0x6f: {  	s1 =	ssub.s32 @!p0 $0x0, s1;
	[sflag:s0] =	ssyncset.done @!p0 $0x0  }
0x70: {  	[sflag:s0] =	ssyncadd.s32 @!p0 s1  }
0x71: {  	[bflag:$0x3] =	sbarrier.arrive $0xFFFF  }
0x72: {  	_ =	shalt  }

// kernel: kernel.14.cloned.1.call-start
scs
__scs_entry_jumppad:
0x0: {  	(pc) =	sbr.rel $0x88, $3  }
0x1: {  	(tag) =	ssettag $0x0;
	lr =	simm.s32 $0x1  }
0x2: {  	[smem:$0x3F9B] =	sst lr;
	_ =	strace $0xD0000000  }
0x3: {  	_ = 	snop  }
0x4: {  	_ = 	snop  }
0x5: {  	_ = 	snop  }
0x6: {  	_ = 	snop  }
0x7: {  	_ = 	snop  }
__scs_overlays_trampoline_lowered:
0x8: {  	[smem:$0x3FAA] =	sst s0  }
0x9: {  	[smem:$0x3FAB] =	sst s1  }
0xa: {  	[smem:$0x3FAC] =	sst s2  }
0xb: {  	[smem:$0x3FAD] =	sst s3  }
0xc: {  	[smem:$0x3FAE] =	sst s4  }
0xd: {  	[smem:$0x3FAF] =	sst s5  }
0xe: {  	[smem:$0x3FB0] =	sst s6  }
0xf: {  	[smem:$0x3FB1] =	sst s7  }
0x10: {  	[smem:$0x3FB2] =	sst s8  }
0x11: {  	[smem:$0x3FB3] =	sst s9;
	s0 =	simm.s32 @!p0 $0x0  }
0x12: {  	s1 =	sld [smem:$0x3F99];
	s0 =	simm.s32 @p0 $0x1  }
0x13: {  	[smem:$0x3FB4] =	sst s0;
	s0 =	simm.s32 @!p1 $0x0  }
0x14: {  	s2 =	sld [smem:$0x3F98];
	s0 =	simm.s32 @p1 $0x1  }
0x15: {  	[smem:$0x3FB5] =	sst s0;
	s0 =	simm.s32 @!p2 $0x0  }
0x16: {  	s3 =	sld [smem:$0x3FDB];
	s0 =	simm.s32 @p2 $0x1  }
0x17: {  	s4 =	simm.s32 $0x1BF5;
	[smem:$0x3FB7] =	sst s0  }
0x18: {  	s0 =	sld [smem:$0x3F9A];
	_ =	swait.ge [sflag:s4], $0x0  }
0x19: {  	s7 =	sld [smem:$0x3F9B]  }
0x1a: {  	s8 =	sadd.s32 $0xFFFFE003, lr  }
0x1b: {  	s9 =	sadd.s32 $0xFFFFFEF7, lr;
	s5 =	simm.s32 $0xFFFFFFFF;
	p2 =	slt.u32 s8, $0xFFFFF086  }
0x1c: {  	p1 =	slt.u32 s9, $0xF7A;
	s5 =	simm.s32 @!p2 $0x0  }
0x1d: {  	s5 =	simm.s32 @p1 $0x1;
	p0 =	seq.s32 s7, s2  }
0x1e: {  	s7 =	smul.u32 @!p0 $0xF7A, s2;
	p2 =	seq.s32 @!p0 s5, $0x0  }
0x1f: {  	s9 =	smul.u32 $0xF7A, s1;
	s8 =	simm.s32 @!p0 $0x1BF5;
	p2 =	por !p2, p0  }
0x20: {  	[sflag:s8] =	ssyncset.s32 @!p0 $0xFFFFF086;
	s6 =	sadd.s32 @!p0 s3, s7;
	s7 =	simm.s32 @!p0 $0x108  }
0x21: {  	s3 =	sadd.s32 s3, s9;
	s6 =	sadd.s32 @!p0 $0x88, s6;
	s7 =	simm.s32 @p2 $0x1082  }
0x22: {  	[simem:s7], [sflag:s8] =	dma.local @!p0 [hbm:s6], $0xF7A  }
0x23: {  	s9 =	sor.u32 $0xD0000000, s2;
	s6 =	simm.s32 $0x108;
	_ =	swait.ge @!p0 [sflag:s8], $0x0  }
0x24: {  	s3 =	sadd.s32 $0x88, s3;
	s6 =	simm.s32 @!p1 $0x1082;
	[sflag:s4] =	ssyncset.s32 $0xFFFFF086  }
0x25: {  	[simem:s6], [sflag:s4] =	dma.local [hbm:s3], $0xF7A  }
0x26: {  	[smem:$0x3F9B] =	sst s1;
	(tag) =	ssettag s2;
	_ =	strace s9  }
0x27: {  	s1 =	sld [smem:$0x3FAB]  }
0x28: {  	s2 =	sld [smem:$0x3FAC]  }
0x29: {  	s4 =	sld [smem:$0x3FAE]  }
0x2a: {  	p0 =	seq.s32 s5, $0x0;
	s5 =	sld [smem:$0x3FAF]  }
0x2b: {  	s6 =	sld [smem:$0x3FB0]  }
0x2c: {  	s7 =	sld [smem:$0x3FB1]  }
0x2d: {  	s3 =	simm.s32 $0x108;
	s8 =	sld [smem:$0x3FB2]  }
0x2e: {  	s3 =	simm.s32 @!p0 $0x1082;
	s9 =	sld [smem:$0x3FB3]  }
0x2f: {  	lr =	sadd.s32 s0, s3;
	s0 =	sld [smem:$0x3FAA]  }
0x30: {  	s3 =	sld [smem:$0x3FAD]  }
0x31: {  	[smem:$0x3FB6] =	sst s10  }
0x32: {  	s10 =	sld [smem:$0x3FB4];
	_ =	sdelay $0x3  }
0x33: {  	p0 =	seq.s32 s10, $0x1;
	s10 =	sld [smem:$0x3FB6];
	_ =	sdelay $0x3  }
0x34: {  	[smem:$0x3FB6] =	sst s10  }
0x35: {  	s10 =	sld [smem:$0x3FB5];
	_ =	sdelay $0x3  }
0x36: {  	p1 =	seq.s32 s10, $0x1;
	s10 =	sld [smem:$0x3FB6];
	_ =	sdelay $0x3  }
0x37: {  	[smem:$0x3FB6] =	sst s10  }
0x38: {  	s10 =	sld [smem:$0x3FB7]  }
0x39: {  	_ = 	snop;
	(pc) =	sbr.ind lr, $3  }
0x3a: {  	_ = 	snop  }
0x3b: {  	_ = 	snop  }
0x3c: {  	p2 =	seq.s32 s10, $0x1;
	s10 =	sld [smem:$0x3FB6]  }
0x3d: {  	_ =	shalt  }
0x3e: {  	_ =	shalt  }
0x3f: {  	_ =	shalt  }
0x40: {  	_ =	shalt  }
0x41: {  	_ =	shalt  }
0x42: {  	_ =	shalt  }
0x43: {  	_ =	shalt  }
0x44: {  	_ =	shalt  }
0x45: {  	_ =	shalt  }
0x46: {  	_ =	shalt  }
0x47: {  	_ =	shalt  }
0x48: {  	_ =	shalt  }
0x49: {  	_ =	shalt  }
0x4a: {  	_ =	shalt  }
0x4b: {  	_ =	shalt  }
0x4c: {  	_ =	shalt  }
0x4d: {  	_ =	shalt  }
0x4e: {  	_ =	shalt  }
0x4f: {  	_ =	shalt  }
0x50: {  	_ =	shalt  }
0x51: {  	_ =	shalt  }
0x52: {  	_ =	shalt  }
0x53: {  	_ =	shalt  }
0x54: {  	_ =	shalt  }
0x55: {  	_ =	shalt  }
0x56: {  	_ =	shalt  }
0x57: {  	_ =	shalt  }
0x58: {  	_ =	shalt  }
0x59: {  	_ =	shalt  }
0x5a: {  	_ =	shalt  }
0x5b: {  	_ =	shalt  }
0x5c: {  	_ =	shalt  }
0x5d: {  	_ =	shalt  }
0x5e: {  	_ =	shalt  }
0x5f: {  	_ =	shalt  }
0x60: {  	_ =	shalt  }
0x61: {  	_ =	shalt  }
0x62: {  	_ =	shalt  }
0x63: {  	_ =	shalt  }
0x64: {  	_ =	shalt  }
0x65: {  	_ =	shalt  }
0x66: {  	_ =	shalt  }
0x67: {  	_ =	shalt  }
0x68: {  	_ =	shalt  }
0x69: {  	_ =	shalt  }
0x6a: {  	_ =	shalt  }
0x6b: {  	_ =	shalt  }
0x6c: {  	_ =	shalt  }
0x6d: {  	_ =	shalt  }
0x6e: {  	_ =	shalt  }
0x6f: {  	_ =	shalt  }
0x70: {  	_ =	shalt  }
0x71: {  	_ =	shalt  }
0x72: {  	_ =	shalt  }
0x73: {  	_ =	shalt  }
0x74: {  	_ =	shalt  }
0x75: {  	_ =	shalt  }
0x76: {  	_ =	shalt  }
0x77: {  	_ =	shalt  }
0x78: {  	_ =	shalt  }
0x79: {  	_ =	shalt  }
0x7a: {  	_ =	shalt  }
0x7b: {  	_ =	shalt  }
0x7c: {  	_ =	shalt  }
0x7d: {  	_ =	shalt  }
0x7e: {  	_ =	shalt  }
0x7f: {  	_ =	shalt  }
0x80: {  	_ =	shalt  }
0x81: {  	_ =	shalt  }
0x82: {  	_ =	shalt  }
0x83: {  	_ =	shalt  }
0x84: {  	_ =	shalt  }
0x85: {  	_ =	shalt  }
0x86: {  	_ =	shalt  }
0x87: {  	_ =	shalt  }
.Lfunc_end0:
.L_simem_size_0:
called_computation.2_lowered:
.L_overlay_start_0:
0x88: {  	s2 =	sld [smem:$0x3FD9]  }
0x89: {  	s3 =	sld [smem:$0x3FFE];
	_ =	sdelay $0x1  }
0x8a: {  	s1 =	srdreg.scid  }
0x8b: {  	s0 =	sand.u32 $0x1, s1  }
0x8c: {  	s17 =	sshll.u32 s0, $0xA;
	s2 =	sadd.s32 s3, s2  }
0x8d: {  	s2 =	sadd.s32 s2, s17  }
0x8e: {  	[smem:$0x3FC2] =	sst s2  }
0x8f: {  	_ = 	snop  }
0x90: {  	s2 =	sld [smem:$0x3FD0];
	(tm) =	ssettm $0x1  }
0x91: {  	s18 =	sld [smem:$0x3FFB];
	_ =	sdelay $0x3  }
0x92: {  	_ =	strace s18  }
0x93: {  	s3 =	sld [smem:$0x3FFC];
	_ =	sdelay $0x3  }
0x94: {  	_ =	strace s3  }
0x95: {  	s3 =	sld [smem:$0x3FFD];
	_ =	sdelay $0x3  }
0x96: {  	_ =	strace s3  }
0x97: {  	_ =	strace $0x8FFFFFFF  }
0x98: {  	s19 =	sld [smem:$0x3FDB];
	_ =	sdelay $0x1  }
0x99: {  	s4 =	simm.s32 $_scs_section_size  }
0x9a: {  	s5 =	simm.s32 $_size__tile_overlayer_lowered;
	s6 =	simm.s32 $_tile_overlayer_lowered  }
0x9b: {  	s22 =	simm.s32 $0x1BFF;
	s21 =	sshll.u32 s6, $0x1;
	s3 =	sadd.s32 s4, s19  }
0x9c: {  	s7 =	simm.s32 $0x0;
	s20 =	sshll.u32 s5, $0x1;
	s5 =	sadd.s32 s21, s3  }
0x9d: {  	[timem:s7], [sflag:s22] =	dma.local [hbm:s5], s20  }
0x9e: {  	_ =	swait.ge [sflag:s22], s20  }
0x9f: {  	s4 =	ssub.s32 $0x0, s20;
	[sflag:s22] =	ssyncset.done $0x0  }
0xa0: {  	[sflag:s22] =	ssyncadd.s32 s4;
	_ =	sdelay $0x1  }
0xa1: {  	s23 =	simm.s32 $0x1B8B  }
0xa2: {  	_ =	swait.ge [sflag:s23], $0x1  }
0xa3: {  	[sflag:s23] =	ssyncset.done $0x0  }
0xa4: {  	s25 =	simm.s32 $0x1B8E;
	s24 =	sld [smem:$0x3FFE];
	[sflag:s23] =	ssyncadd.s32 $0xFFFFFFFF  }
0xa5: {  	s26 =	simm.s32 $execute0_lowered;
	[smem:$0x3FD2] =	sst s25  }
0xa6: {  	s5 =	sshll.u32 s26, $0x1;
	_ =	strace $0x8000004C;
	[dreg:$0x1] =	wrdreg $0xFFFFFFFF  }
0xa7: {  	s28 =	simm.s32 $_size_execute0_lowered;
	s3 =	sadd.s32 s3, s5;
	[dreg:$0x0] =	wrdreg $0x0  }
0xa8: {  	s5 =	sshll.u32 s28, $0x1;
	[dreg:$0x2] =	wrdreg s3  }
0xa9: {  	[dreg:$0x3] =	wrdreg s5  }
0xaa: {  	[dreg:$0x4] =	wrdreg $0xC0  }
0xab: {  	_ =	task [dreg:s7], $0x5FFFF  }
0xac: {  	[dreg:$0x1] =	wrdreg $0xFFFFFFFF  }
0xad: {  	[dreg:$0x0] =	wrdreg $0x60  }
0xae: {  	[dreg:$0x2] =	wrdreg s24  }
0xaf: {  	[dreg:$0x3] =	wrdreg s2  }
0xb0: {  	[dreg:$0x4] =	wrdreg $0x6F000  }
0xb1: {  	[dreg:$0x5] =	wrdreg $0x9  }
0xb2: {  	_ =	task.clear_ibuf [dreg:s7], $0x6FFFF;
	_ =	strace $0x9000004C  }
0xb3: {  	s29 =	simm.s32 $0x9;
	_ =	strace $0x8000004E  }
0xb4: {  	_ =	swait.ge [sflag:s29], $0x1  }
0xb5: {  	[sflag:s29] =	ssyncadd.s32 $0xFFFFFFFF  }
0xb6: {  	_ =	strace $0x9000004E  }
0xb7: {  	_ =	sfence  }
0xb8: {  	s30 =	sld [smem:$0x0];
	_ =	sdelay $0x2  }
0xb9: {  	s31 =	sshll.u32 s1, $0xD;
	s1 =	sshrl.u32 s1, $0x2  }
0xba: {  	s3 =	sand.u32 $0x4000, s31;
	s1 =	sadd.s32 s1, s30  }
0xbb: {  	s0 =	sor.u32 s3, s0;
	s1 =	sshll.u32 s1, $0x11  }
0xbc: {  	s0 =	sor.u32 s1, s0  }
0xbd: {  	s0 =	sadd.s32 $0x8F2B, s0  }
0xbe: {  	[sflag:s0] =	ssyncadd.remote.s32 $0x1  }
0xbf: {  	_ =	sfence.sel $0xFFFF  }
0xc0: {  	[dreg:$0x0] =	wrdreg $0xFFFFFFFF;
	(pc) =	sbr.abs _section_cstart, $3  }
0xc1: {  	[dreg:$0x1] =	wrdreg $0xFFFFFFFF  }
0xc2: {  	_ =	task.clear_ibuf [dreg:s7], $0x2FFFF;
	_ =	strace $0x9FFFFFFF  }
0xc3: {  	(tm) =	ssettm $0x7FFFFFFF  }
tec
execute0_lowered:
.L_overlay_start_1:
0x0: {  	(tag) =	ssettag $0x1  }
0x1: {  	s3 =	rddreg [dreg:$0x0]  }
0x2: {  	s0 =	srdreg.scid;
	s6 =	rddreg [dreg:$0x1]  }
0x3: {  	s8 =	stileid.u32;
	s1 =	rddreg [dreg:$0x2];
	s9 =	simm.s32 $0x2780  }
0x4: {  	s11 =	simm.s32 $0x80;
	s12 =	simm.s32 $0x4F00;
	s13 =	simm.s32 $0x5700  }
0x5: {  	s16 =	simm.s32 $0x1;
	s19 =	simm.s32 $0x2;
	s21 =	simm.s32 $0x8  }
0x6: {  	s22 =	simm.s32 $0x5;
	s23 =	simm.s32 $0x6;
	s0 =	sand.u32 $0x1, s0  }
0x7: {  	s24 =	simm.s32 $0x7;
	p0 =	sne.s32 s8, $0x0;
	s2 =	sshll.u32 s0, $0x4  }
0x8: {  	s29 =	ssub.s32 $0x2, s0;
	s0 =	smul.u32 $0x5000, s0;
	s4 =	sor.u32 s8, s2  }
0x9: {  	s25 =	simm.s32 $0x0;
	s10 =	sshrl.u32 @!p0 s1, $0x3;
	s4 =	smul.u32 $0x4F0, s4  }
0xa: {  	s2 =	simm.s32 $0x0;
	s7 =	sshrl.u32 s29, $0x1;
	s8 =	simm.s32 $0x9  }
0xb: {  	[smem:$0x7FF] =	sst s2;
	s0 =	sadd.s32 s6, s0;
	s5 =	sadd.s32 s4, s3  }
0xc: {  	_ =	strace $0x8000004D;
	[dreg:$0x6] =	wrdreg s0;
	s30 =	sadd.s32 $0xBC00, s5  }
0xd: {  	s7 =	ssub.s32 s29, s7;
	s31 =	sadd.s32 $0x1800, s5;
	[dreg:$0x4] =	wrdreg s30  }
0xe: {  	s7 =	smax.u32 s7, $0x1;
	s3 =	sadd.s32 $0x15A00, s3;
	[dreg:$0x5] =	wrdreg s31  }
.LBB2_1:
0xf: {  	s0 =	rddreg [dreg:$0x4]  }
0x10: {  	[tilespmem:s2], [sflag:$0x9] =	stream.linear.gather [hbm4b:s0+s2], $0x2780, $0x38;
	[tilespmem:$0x9700] =	vst v63  }
0x11: {  	_ =	swait.ge [sflag:s8], $0x2780  }
0x12: {  	[sflag:s8] =	ssyncset.done $0x0  }
0x13: {  	s5 =	rddreg [dreg:$0x5];
	[sflag:s8] =	ssyncadd.s32 $0xFFFFD880  }
0x14: {  	[tilespmem:s9], [sflag:$0x9] =	stream.linear.gather [hbm4b:s5+s2], $0x2780, $0x38;
	[tilespmem:$0x9700] =	vst v63  }
0x15: {  	_ =	swait.ge [sflag:s8], $0x2780  }
0x16: {  	[sflag:s8] =	ssyncset.done $0x0  }
0x17: {  	s0 =	simm.s32 @!p0 $0x1C09;
	[sflag:s8] =	ssyncadd.s32 $0xFFFFD880  }
0x18: {  	[spmem:s10], [sflag:s0] =	dma.local @!p0 [hbm:s3], $0x5000  }
0x19: {  	s0 =	simm.s32 @!p0 $0x9  }
0x1a: {  	_ =	swait.ge @!p0 [sflag:s0], $0x5000  }
0x1b: {  	[sflag:s0] =	ssyncset.done @!p0 $0x0  }
0x1c: {  	[sflag:s0] =	ssyncadd.s32 @!p0 $0xFFFFB000  }
0x1d: {  	[bflag:$0x0] =	sbarrier.arrive $0xFFFF  }
0x1e: {  	[tilespmem:s12], [sflag:$0x1] =	stream.indirect.gather [hbm4b:s3+s11], $0x10, s2, s11, $0xb8;
	[tilespmem:$0x9700] =	vst v63  }
0x1f: {  	_ = 	snop  }
0x20: {  	[tilespmem:s13], [sflag:$0x2] =	stream.indirect.gather [hbm4b:s3+s11], $0x10, s11, s11, $0xb8;
	[tilespmem:$0x9700] =	vst v63  }
0x21: {  	s6 =	simm.s32 $0x100;
	s4 =	simm.s32 $0x5F00  }
0x22: {  	[tilespmem:s4], [sflag:$0x3] =	stream.indirect.gather [hbm4b:s3+s11], $0x10, s6, s11, $0xb8;
	[tilespmem:$0x9700] =	vst v63  }
0x23: {  	_ =	swait.ge [sflag:s16], $0x800  }
0x24: {  	[sflag:s16] =	ssyncset.done $0x0  }
0x25: {  	s14 =	simm.s32 $0x180;
	s15 =	simm.s32 $0x6700;
	[sflag:s16] =	ssyncadd.s32 $0xFFFFF800  }
0x26: {  	[spmem:s1] =	stream.indirect.scatter.add.f32 [tilespmem:s12], [sflag:$0x5], $0x10, s9, s11, $0xb8;
	[tilespmem:$0x9700] =	vst v63  }
0x27: {  	s17 =	simm.s32 $0x2800;
	p1 =	por $0x0, $0x0;
	s30 =	simm.s32 $0x5  }
0x28: {  	[tilespmem:s15], [sflag:$0x4] =	stream.indirect.gather [hbm4b:s3+s11], $0x10, s14, s11, $0xb8;
	[tilespmem:$0x9700] =	vst v63  }
0x29: {  	s31 =	simm.s32 $0x3;
	s0 =	simm.s32 $0x4;
	_ =	swait.ge [sflag:s19], $0x800  }
0x2a: {  	s26 =	simm.s32 $0x2900;
	s0 =	sand.u32 @!p1 $0x3, s0;
	[sflag:s19] =	ssyncset.done $0x0  }
0x2b: {  	s28 =	sand.u32 $0x3, s31;
	s18 =	sadd.s32 @!p1 $0x5, s0;
	[sflag:s19] =	ssyncadd.s32 $0xFFFFF800  }
0x2c: {  	[spmem:s1] =	stream.indirect.scatter.add.f32 [tilespmem:s13], [sflag:$0x6], $0x10, s17, s11, $0xb8;
	[tilespmem:$0x9700] =	vst v63  }
0x2d: {  	s15 =	simm.s32 $0x2880;
	s14 =	simm.s32 $0x200;
	s17 =	simm.s32 $0x2  }
0x2e: {  	s20 =	sand.u32 $0x3, s17;
	s17 =	sshll.u32 @!p1 s0, $0xB;
	_ =	swait.ge @!p1 [sflag:s18], $0x800  }
0x2f: {  	s0 =	sadd.s32 @!p1 $0x1, s0;
	s17 =	sadd.s32 @!p1 $0x4F00, s17;
	[sflag:s18] =	ssyncset.done @!p1 $0x0  }
0x30: {  	s29 =	sadd.s32 $0x1, s20;
	[sflag:s18] =	ssyncadd.s32 @!p1 $0xFFFFF800;
	s18 =	simm.s32 @!p1 $0x80  }
0x31: {  	[tilespmem:s17], [sflag:s0] =	stream.indirect.gather @!p1 [hbm4b:s3+s18], $0x10, s14, s18, $0xb8;
	[tilespmem:$0x9700] =	vst v63  }
0x32: {  	s18 =	sshll.u32 s20, $0xB;
	s14 =	simm.s32 $0x6;
	_ =	swait.ge [sflag:s29], $0x800  }
0x33: {  	s0 =	sshll.u32 s28, $0xB;
	s17 =	sadd.s32 $0x4F00, s18;
	[sflag:s29] =	ssyncset.done $0x0  }
0x34: {  	s18 =	sadd.s32 $0x5, s20;
	[sflag:s29] =	ssyncadd.s32 $0xFFFFF800;
	s29 =	simm.s32 $0x280  }
.LBB2_2:
0x35: {  	[spmem:s1] =	stream.indirect.scatter.add.f32 [tilespmem:s17], [sflag:s18], $0x10, s15, s11, $0xb8;
	[tilespmem:$0x9700] =	vst v63  }
0x36: {  	s15 =	smov.u32 s14;
	s18 =	smov.u32 s28;
	s17 =	smov.u32 s0  }
0x37: {  	s14 =	sadd.s32 $0x1, s14;
	p2 =	sgt.u32 s31, $0x4C;
	s31 =	sadd.s32 $0xFFFFFFFE, s15  }
0x38: {  	p1 =	sne.s32 s14, $0x51;
	s0 =	sand.u32 @!p2 $0x3, s30;
	s28 =	sand.u32 $0x3, s31  }
0x39: {  	s20 =	sadd.s32 @!p2 $0x5, s0;
	s30 =	sshll.u32 @!p2 s0, $0xB;
	s4 =	sadd.s32 @!p2 $0x1, s0  }
0x3a: {  	s0 =	sshll.u32 s28, $0xB;
	s5 =	sadd.s32 @!p2 $0x4F00, s30;
	_ =	swait.ge @!p2 [sflag:s20], $0x800  }
0x3b: {  	s6 =	sadd.s32 $0x1, s18;
	s30 =	smov.u32 s15;
	[sflag:s20] =	ssyncset.done @!p2 $0x0  }
.Ltmp0:
0x3c: {  	s15 =	simm.s32 @!p2 $0x80;
	[sflag:s20] =	ssyncadd.s32 @!p2 $0xFFFFF800;
	(pc) =	sbr.rel @p1 .LBB2_2-.Ltmp0, $4  }
0x3d: {  	[tilespmem:s5], [sflag:s4] =	stream.indirect.gather @!p2 [hbm4b:s3+s15], $0x10, s29, s15, $0xb8;
	[tilespmem:$0x9700] =	vst v63  }
0x3e: {  	s15 =	smov.u32 s26;
	_ =	swait.ge [sflag:s6], $0x800  }
0x3f: {  	s26 =	sadd.s32 $0x80, s26;
	s29 =	sadd.s32 $0x80, s29;
	[sflag:s6] =	ssyncset.done $0x0  }
0x40: {  	s17 =	sadd.s32 $0x4F00, s17;
	s18 =	sadd.s32 $0x5, s18;
	[sflag:s6] =	ssyncadd.s32 $0xFFFFF800  }
0x41: {  	[spmem:s1] =	stream.indirect.scatter.add.f32 [tilespmem:s17], [sflag:s18], $0x10, s15, s11, $0xb8;
	[tilespmem:$0x9700] =	vst v63  }
0x42: {  	p1 =	sgt.u32 s31, $0x4C  }
0x43: {  	s4 =	sand.u32 @!p1 $0x3, s30  }
0x44: {  	s5 =	sadd.s32 @!p1 $0x5, s4  }
0x45: {  	s14 =	sadd.s32 $0x1, s28;
	_ =	swait.ge @!p1 [sflag:s5], $0x800  }
0x46: {  	s6 =	sshll.u32 @!p1 s4, $0xB;
	s4 =	sadd.s32 @!p1 $0x1, s4;
	[sflag:s5] =	ssyncset.done @!p1 $0x0  }
0x47: {  	s6 =	sadd.s32 @!p1 $0x4F00, s6;
	[sflag:s5] =	ssyncadd.s32 @!p1 $0xFFFFF800;
	s5 =	simm.s32 @!p1 $0x80  }
0x48: {  	[tilespmem:s6], [sflag:s4] =	stream.indirect.gather @!p1 [hbm4b:s3+s5], $0x10, s29, s5, $0xb8;
	[tilespmem:$0x9700] =	vst v63  }
0x49: {  	_ =	swait.ge [sflag:s14], $0x800  }
0x4a: {  	[sflag:s14] =	ssyncset.done $0x0  }
0x4b: {  	s0 =	sadd.s32 $0x4F00, s0;
	s31 =	sadd.s32 $0x5, s28;
	[sflag:s14] =	ssyncadd.s32 $0xFFFFF800  }
0x4c: {  	[spmem:s1] =	stream.indirect.scatter.add.f32 [tilespmem:s0], [sflag:s31], $0x10, s26, s11, $0xb8;
	[tilespmem:$0x9700] =	vst v63  }
0x4d: {  	_ =	swait.ge [sflag:s21], $0x800  }
0x4e: {  	[sflag:s21] =	ssyncset.done $0x0  }
0x4f: {  	[sflag:s21] =	ssyncadd.s32 $0xFFFFF800  }
0x50: {  	_ =	swait.ge [sflag:s22], $0x800  }
0x51: {  	[sflag:s22] =	ssyncset.done $0x0  }
0x52: {  	[sflag:s22] =	ssyncadd.s32 $0xFFFFF800  }
0x53: {  	_ =	swait.ge [sflag:s23], $0x800  }
0x54: {  	[sflag:s23] =	ssyncset.done $0x0  }
0x55: {  	[sflag:s23] =	ssyncadd.s32 $0xFFFFF800  }
0x56: {  	_ =	swait.ge [sflag:s24], $0x800  }
0x57: {  	[sflag:s24] =	ssyncset.done $0x0  }
0x58: {  	[sflag:s24] =	ssyncadd.s32 $0xFFFFF800  }
0x59: {  	s25 =	sadd.s32 $0x1, s25;
	[bflag:$0x0] =	sbarrier.arrive $0xFFFF  }
0x5a: {  	p1 =	sne.s32 s25, s7;
	s0 =	simm.s32 @!p0 $0x1C09;
	s4 =	rddreg [dreg:$0x6]  }
0x5b: {  	[hbm:s4], [sflag:s0] =	dma.local @!p0 [spmem:s10], $0x5000  }
.Ltmp1:
0x5c: {  	_ = 	snop;
	(pc) =	sbr.rel @p1 .LBB2_1-.Ltmp1, $4  }
0x5d: {  	s0 =	simm.s32 @!p0 $0x9  }
0x5e: {  	_ =	swait.ge @!p0 [sflag:s0], $0x5000  }
0x5f: {  	[sflag:s0] =	ssyncset.done @!p0 $0x0  }
0x60: {  	[sflag:s0] =	ssyncadd.s32 @!p0 $0xFFFFB000  }
0x61: {  	_ =	sfence.sel $0x180000  }
0x62: {  	[bflag:$0x0] =	sbarrier.arrive $0xFFFF  }
0x63: {  	_ =	strace $0x9000004D  }
0x64: {  	[bflag:$0x2] =	sbarrier.arrive $0xFFFF  }
0x65: {  	s0 =	rddreg [dreg:$0x3]  }
0x66: {  	s0 =	sadd.s32 @!p0 $0x100000, s0  }
0x67: {  	[sflag:s0] =	ssyncadd.tile.s32 @!p0 $0x1;
	_ =	shalt  }
.Lfunc_end2:
_tile_overlayer_lowered:
.L_overlay_start_2:
0x68: {  	(tag) =	ssettag $0x2  }
0x69: {  	s0 =	rddreg [dreg:$0x0];
	s2 =	stileid.u32  }
0x6a: {  	s1 =	rddreg [dreg:$0x1];
	p0 =	sne.s32 s2, $0x0  }
0x6b: {  	s3 =	rddreg [dreg:$0x2];
	[bflag:$0x3] =	sbarrier.arrive $0xFFFF;
	s2 =	simm.s32 @!p0 $0x1C09  }
0x6c: {  	[timem:s3], [sflag:s2] =	dma.local @!p0 [hbm:s0], s1  }
0x6d: {  	s0 =	simm.s32 @!p0 $0x9  }
0x6e: {  	_ =	swait.ge @!p0 [sflag:s0], s1  }
0x6f: {  	s1 =	ssub.s32 @!p0 $0x0, s1;
	[sflag:s0] =	ssyncset.done @!p0 $0x0  }
0x70: {  	[sflag:s0] =	ssyncadd.s32 @!p0 s1  }
0x71: {  	[bflag:$0x3] =	sbarrier.arrive $0xFFFF  }
0x72: {  	_ =	shalt  }

// kernel: kernel.8.cloned.1.call-start
scs
__scs_entry_jumppad:
0x0: {  	(pc) =	sbr.rel $0x88, $3  }
0x1: {  	(tag) =	ssettag $0x0;
	lr =	simm.s32 $0x1  }
0x2: {  	[smem:$0x3F9B] =	sst lr;
	_ =	strace $0xD0000000  }
0x3: {  	_ = 	snop  }
0x4: {  	_ = 	snop  }
0x5: {  	_ = 	snop  }
0x6: {  	_ = 	snop  }
0x7: {  	_ = 	snop  }
__scs_overlays_trampoline_lowered:
0x8: {  	[smem:$0x3FAA] =	sst s0  }
0x9: {  	[smem:$0x3FAB] =	sst s1  }
0xa: {  	[smem:$0x3FAC] =	sst s2  }
0xb: {  	[smem:$0x3FAD] =	sst s3  }
0xc: {  	[smem:$0x3FAE] =	sst s4  }
0xd: {  	[smem:$0x3FAF] =	sst s5  }
0xe: {  	[smem:$0x3FB0] =	sst s6  }
0xf: {  	[smem:$0x3FB1] =	sst s7  }
0x10: {  	[smem:$0x3FB2] =	sst s8  }
0x11: {  	[smem:$0x3FB3] =	sst s9;
	s0 =	simm.s32 @!p0 $0x0  }
0x12: {  	s1 =	sld [smem:$0x3F99];
	s0 =	simm.s32 @p0 $0x1  }
0x13: {  	[smem:$0x3FB4] =	sst s0;
	s0 =	simm.s32 @!p1 $0x0  }
0x14: {  	s2 =	sld [smem:$0x3F98];
	s0 =	simm.s32 @p1 $0x1  }
0x15: {  	[smem:$0x3FB5] =	sst s0;
	s0 =	simm.s32 @!p2 $0x0  }
0x16: {  	s3 =	sld [smem:$0x3FDB];
	s0 =	simm.s32 @p2 $0x1  }
0x17: {  	s4 =	simm.s32 $0x1BF5;
	[smem:$0x3FB7] =	sst s0  }
0x18: {  	s0 =	sld [smem:$0x3F9A];
	_ =	swait.ge [sflag:s4], $0x0  }
0x19: {  	s7 =	sld [smem:$0x3F9B]  }
0x1a: {  	s8 =	sadd.s32 $0xFFFFE003, lr  }
0x1b: {  	s9 =	sadd.s32 $0xFFFFFEF7, lr;
	s5 =	simm.s32 $0xFFFFFFFF;
	p2 =	slt.u32 s8, $0xFFFFF086  }
0x1c: {  	p1 =	slt.u32 s9, $0xF7A;
	s5 =	simm.s32 @!p2 $0x0  }
0x1d: {  	s5 =	simm.s32 @p1 $0x1;
	p0 =	seq.s32 s7, s2  }
0x1e: {  	s7 =	smul.u32 @!p0 $0xF7A, s2;
	p2 =	seq.s32 @!p0 s5, $0x0  }
0x1f: {  	s9 =	smul.u32 $0xF7A, s1;
	s8 =	simm.s32 @!p0 $0x1BF5;
	p2 =	por !p2, p0  }
0x20: {  	[sflag:s8] =	ssyncset.s32 @!p0 $0xFFFFF086;
	s6 =	sadd.s32 @!p0 s3, s7;
	s7 =	simm.s32 @!p0 $0x108  }
0x21: {  	s3 =	sadd.s32 s3, s9;
	s6 =	sadd.s32 @!p0 $0x88, s6;
	s7 =	simm.s32 @p2 $0x1082  }
0x22: {  	[simem:s7], [sflag:s8] =	dma.local @!p0 [hbm:s6], $0xF7A  }
0x23: {  	s9 =	sor.u32 $0xD0000000, s2;
	s6 =	simm.s32 $0x108;
	_ =	swait.ge @!p0 [sflag:s8], $0x0  }
0x24: {  	s3 =	sadd.s32 $0x88, s3;
	s6 =	simm.s32 @!p1 $0x1082;
	[sflag:s4] =	ssyncset.s32 $0xFFFFF086  }
0x25: {  	[simem:s6], [sflag:s4] =	dma.local [hbm:s3], $0xF7A  }
0x26: {  	[smem:$0x3F9B] =	sst s1;
	(tag) =	ssettag s2;
	_ =	strace s9  }
0x27: {  	s1 =	sld [smem:$0x3FAB]  }
0x28: {  	s2 =	sld [smem:$0x3FAC]  }
0x29: {  	s4 =	sld [smem:$0x3FAE]  }
0x2a: {  	p0 =	seq.s32 s5, $0x0;
	s5 =	sld [smem:$0x3FAF]  }
0x2b: {  	s6 =	sld [smem:$0x3FB0]  }
0x2c: {  	s7 =	sld [smem:$0x3FB1]  }
0x2d: {  	s3 =	simm.s32 $0x108;
	s8 =	sld [smem:$0x3FB2]  }
0x2e: {  	s3 =	simm.s32 @!p0 $0x1082;
	s9 =	sld [smem:$0x3FB3]  }
0x2f: {  	lr =	sadd.s32 s0, s3;
	s0 =	sld [smem:$0x3FAA]  }
0x30: {  	s3 =	sld [smem:$0x3FAD]  }
0x31: {  	[smem:$0x3FB6] =	sst s10  }
0x32: {  	s10 =	sld [smem:$0x3FB4];
	_ =	sdelay $0x3  }
0x33: {  	p0 =	seq.s32 s10, $0x1;
	s10 =	sld [smem:$0x3FB6];
	_ =	sdelay $0x3  }
0x34: {  	[smem:$0x3FB6] =	sst s10  }
0x35: {  	s10 =	sld [smem:$0x3FB5];
	_ =	sdelay $0x3  }
0x36: {  	p1 =	seq.s32 s10, $0x1;
	s10 =	sld [smem:$0x3FB6];
	_ =	sdelay $0x3  }
0x37: {  	[smem:$0x3FB6] =	sst s10  }
0x38: {  	s10 =	sld [smem:$0x3FB7]  }
0x39: {  	_ = 	snop;
	(pc) =	sbr.ind lr, $3  }
0x3a: {  	_ = 	snop  }
0x3b: {  	_ = 	snop  }
0x3c: {  	p2 =	seq.s32 s10, $0x1;
	s10 =	sld [smem:$0x3FB6]  }
0x3d: {  	_ =	shalt  }
0x3e: {  	_ =	shalt  }
0x3f: {  	_ =	shalt  }
0x40: {  	_ =	shalt  }
0x41: {  	_ =	shalt  }
0x42: {  	_ =	shalt  }
0x43: {  	_ =	shalt  }
0x44: {  	_ =	shalt  }
0x45: {  	_ =	shalt  }
0x46: {  	_ =	shalt  }
0x47: {  	_ =	shalt  }
0x48: {  	_ =	shalt  }
0x49: {  	_ =	shalt  }
0x4a: {  	_ =	shalt  }
0x4b: {  	_ =	shalt  }
0x4c: {  	_ =	shalt  }
0x4d: {  	_ =	shalt  }
0x4e: {  	_ =	shalt  }
0x4f: {  	_ =	shalt  }
0x50: {  	_ =	shalt  }
0x51: {  	_ =	shalt  }
0x52: {  	_ =	shalt  }
0x53: {  	_ =	shalt  }
0x54: {  	_ =	shalt  }
0x55: {  	_ =	shalt  }
0x56: {  	_ =	shalt  }
0x57: {  	_ =	shalt  }
0x58: {  	_ =	shalt  }
0x59: {  	_ =	shalt  }
0x5a: {  	_ =	shalt  }
0x5b: {  	_ =	shalt  }
0x5c: {  	_ =	shalt  }
0x5d: {  	_ =	shalt  }
0x5e: {  	_ =	shalt  }
0x5f: {  	_ =	shalt  }
0x60: {  	_ =	shalt  }
0x61: {  	_ =	shalt  }
0x62: {  	_ =	shalt  }
0x63: {  	_ =	shalt  }
0x64: {  	_ =	shalt  }
0x65: {  	_ =	shalt  }
0x66: {  	_ =	shalt  }
0x67: {  	_ =	shalt  }
0x68: {  	_ =	shalt  }
0x69: {  	_ =	shalt  }
0x6a: {  	_ =	shalt  }
0x6b: {  	_ =	shalt  }
0x6c: {  	_ =	shalt  }
0x6d: {  	_ =	shalt  }
0x6e: {  	_ =	shalt  }
0x6f: {  	_ =	shalt  }
0x70: {  	_ =	shalt  }
0x71: {  	_ =	shalt  }
0x72: {  	_ =	shalt  }
0x73: {  	_ =	shalt  }
0x74: {  	_ =	shalt  }
0x75: {  	_ =	shalt  }
0x76: {  	_ =	shalt  }
0x77: {  	_ =	shalt  }
0x78: {  	_ =	shalt  }
0x79: {  	_ =	shalt  }
0x7a: {  	_ =	shalt  }
0x7b: {  	_ =	shalt  }
0x7c: {  	_ =	shalt  }
0x7d: {  	_ =	shalt  }
0x7e: {  	_ =	shalt  }
0x7f: {  	_ =	shalt  }
0x80: {  	_ =	shalt  }
0x81: {  	_ =	shalt  }
0x82: {  	_ =	shalt  }
0x83: {  	_ =	shalt  }
0x84: {  	_ =	shalt  }
0x85: {  	_ =	shalt  }
0x86: {  	_ =	shalt  }
0x87: {  	_ =	shalt  }
.Lfunc_end0:
.L_simem_size_0:
called_computation_lowered:
.L_overlay_start_0:
0x88: {  	s2 =	sld [smem:$0x3FD9]  }
0x89: {  	s3 =	sld [smem:$0x3FFE];
	_ =	sdelay $0x1  }
0x8a: {  	s1 =	srdreg.scid  }
0x8b: {  	s0 =	sand.u32 $0x1, s1  }
0x8c: {  	s17 =	sshll.u32 s0, $0xA;
	s2 =	sadd.s32 s3, s2  }
0x8d: {  	s2 =	sadd.s32 s2, s17  }
0x8e: {  	[smem:$0x3FC2] =	sst s2  }
0x8f: {  	_ = 	snop  }
0x90: {  	s2 =	sld [smem:$0x3FD0];
	(tm) =	ssettm $0x1  }
0x91: {  	s18 =	sld [smem:$0x3FFB];
	_ =	sdelay $0x3  }
0x92: {  	_ =	strace s18  }
0x93: {  	s3 =	sld [smem:$0x3FFC];
	_ =	sdelay $0x3  }
0x94: {  	_ =	strace s3  }
0x95: {  	s3 =	sld [smem:$0x3FFD];
	_ =	sdelay $0x3  }
0x96: {  	_ =	strace s3  }
0x97: {  	_ =	strace $0x8FFFFFFF  }
0x98: {  	s19 =	sld [smem:$0x3FDB];
	_ =	sdelay $0x1  }
0x99: {  	s4 =	simm.s32 $_scs_section_size  }
0x9a: {  	s5 =	simm.s32 $_size__tile_overlayer_lowered;
	s6 =	simm.s32 $_tile_overlayer_lowered  }
0x9b: {  	s22 =	simm.s32 $0x1BFF;
	s21 =	sshll.u32 s6, $0x1;
	s3 =	sadd.s32 s4, s19  }
0x9c: {  	s7 =	simm.s32 $0x0;
	s20 =	sshll.u32 s5, $0x1;
	s5 =	sadd.s32 s21, s3  }
0x9d: {  	[timem:s7], [sflag:s22] =	dma.local [hbm:s5], s20  }
0x9e: {  	_ =	swait.ge [sflag:s22], s20  }
0x9f: {  	s4 =	ssub.s32 $0x0, s20;
	[sflag:s22] =	ssyncset.done $0x0  }
0xa0: {  	[sflag:s22] =	ssyncadd.s32 s4;
	_ =	sdelay $0x1  }
0xa1: {  	s23 =	simm.s32 $0x1B8B  }
0xa2: {  	_ =	swait.ge [sflag:s23], $0x1  }
0xa3: {  	[sflag:s23] =	ssyncset.done $0x0  }
0xa4: {  	s25 =	simm.s32 $0x1B8E;
	s24 =	sld [smem:$0x3FFE];
	[sflag:s23] =	ssyncadd.s32 $0xFFFFFFFF  }
0xa5: {  	s26 =	simm.s32 $execute0_lowered;
	[smem:$0x3FD2] =	sst s25  }
0xa6: {  	s5 =	sshll.u32 s26, $0x1;
	_ =	strace $0x80000046;
	[dreg:$0x1] =	wrdreg $0xFFFFFFFF  }
0xa7: {  	s28 =	simm.s32 $_size_execute0_lowered;
	s3 =	sadd.s32 s3, s5;
	[dreg:$0x0] =	wrdreg $0x0  }
0xa8: {  	s5 =	sshll.u32 s28, $0x1;
	[dreg:$0x2] =	wrdreg s3  }
0xa9: {  	[dreg:$0x3] =	wrdreg s5  }
0xaa: {  	[dreg:$0x4] =	wrdreg $0xC0  }
0xab: {  	_ =	task [dreg:s7], $0x5FFFF  }
0xac: {  	[dreg:$0x1] =	wrdreg $0xFFFFFFFF  }
0xad: {  	[dreg:$0x0] =	wrdreg $0x60  }
0xae: {  	[dreg:$0x2] =	wrdreg s24  }
0xaf: {  	[dreg:$0x3] =	wrdreg s2  }
0xb0: {  	[dreg:$0x4] =	wrdreg $0x52000  }
0xb1: {  	[dreg:$0x5] =	wrdreg $0x9  }
0xb2: {  	_ =	task.clear_ibuf [dreg:s7], $0x6FFFF;
	_ =	strace $0x90000046  }
0xb3: {  	s29 =	simm.s32 $0x9;
	_ =	strace $0x80000048  }
0xb4: {  	_ =	swait.ge [sflag:s29], $0x1  }
0xb5: {  	[sflag:s29] =	ssyncadd.s32 $0xFFFFFFFF  }
0xb6: {  	_ =	strace $0x90000048  }
0xb7: {  	_ =	sfence  }
0xb8: {  	s30 =	sld [smem:$0x0];
	_ =	sdelay $0x2  }
0xb9: {  	s31 =	sshll.u32 s1, $0xD;
	s1 =	sshrl.u32 s1, $0x2  }
0xba: {  	s3 =	sand.u32 $0x4000, s31;
	s1 =	sadd.s32 s1, s30  }
0xbb: {  	s0 =	sor.u32 s3, s0;
	s1 =	sshll.u32 s1, $0x11  }
0xbc: {  	s0 =	sor.u32 s1, s0  }
0xbd: {  	s0 =	sadd.s32 $0x8F2B, s0  }
0xbe: {  	[sflag:s0] =	ssyncadd.remote.s32 $0x1  }
0xbf: {  	_ =	sfence.sel $0xFFFF  }
0xc0: {  	[dreg:$0x0] =	wrdreg $0xFFFFFFFF;
	(pc) =	sbr.abs _section_cstart, $3  }
0xc1: {  	[dreg:$0x1] =	wrdreg $0xFFFFFFFF  }
0xc2: {  	_ =	task.clear_ibuf [dreg:s7], $0x2FFFF;
	_ =	strace $0x9FFFFFFF  }
0xc3: {  	(tm) =	ssettm $0x7FFFFFFF  }
tec
execute0_lowered:
.L_overlay_start_1:
0x0: {  	(tag) =	ssettag $0x1  }
0x1: {  	s4 =	rddreg [dreg:$0x0]  }
0x2: {  	s0 =	srdreg.scid;
	s6 =	rddreg [dreg:$0x1]  }
0x3: {  	s1 =	rddreg [dreg:$0x2];
	s8 =	stileid.u32  }
0x4: {  	s2 =	simm.s32 $0x0;
	s12 =	simm.s32 $0x80;
	s13 =	simm.s32 $0x5000  }
0x5: {  	s14 =	simm.s32 $0x2F80;
	s15 =	simm.s32 $0x5080;
	s16 =	simm.s32 $0x3780  }
0x6: {  	s17 =	simm.s32 $0x5100;
	s18 =	simm.s32 $0x3F80;
	s19 =	simm.s32 $0x5180  }
0x7: {  	s20 =	simm.s32 $0x4780;
	s3 =	sand.u32 $0x1, s0;
	s0 =	rddreg [dreg:$0x3]  }
0x8: {  	s21 =	simm.s32 $0x0;
	[smem:$0x7FF] =	sst s2;
	p0 =	sne.s32 s8, $0x0  }
0x9: {  	s5 =	sshll.u32 s3, $0x4;
	_ =	strace $0x80000047;
	s7 =	ssub.s32 $0x2, s3  }
0xa: {  	s10 =	smul.u32 $0x500, s3;
	s3 =	sadd.s32 $0xB600, s4;
	s5 =	sor.u32 s8, s5  }
0xb: {  	s11 =	sshrl.u32 @!p0 s1, $0x3;
	s9 =	sshrl.u32 s7, $0x1;
	s5 =	smul.u32 $0x4F0, s5  }
0xc: {  	s8 =	simm.s32 $0x1;
	s7 =	ssub.s32 s7, s9;
	s6 =	sadd.s32 s6, s10  }
0xd: {  	s9 =	simm.s32 $0x2780;
	s10 =	simm.s32 $0x4F80;
	s5 =	sadd.s32 s5, s4  }
0xe: {  	v0 =	vimm.f32 $1.000000000e+00;
	s7 =	smax.u32 s7, $0x1;
	s4 =	sadd.s32 $0x1600, s4;
	s5 =	sadd.s32 $0x1800, s5  }
.LBB2_1:
0xf: {  	[tilespmem:s2], [sflag:$0x1] =	stream.linear.gather [hbm4b:s5+s2], $0x2780, $0x38;
	[tilespmem:$0x5480] =	vst v63  }
0x10: {  	_ =	swait.ge [sflag:s8], $0x2780  }
0x11: {  	[sflag:s8] =	ssyncset.done $0x0  }
0x12: {  	[sflag:s8] =	ssyncadd.s32 $0xFFFFD880  }
0x13: {  	[tilespmem:s9], [sflag:$0x1] =	stream.linear.gather [hbm4b:s3+s2], $0x2800, $0x38;
	[tilespmem:$0x5480] =	vst v63  }
0x14: {  	_ =	swait.ge [sflag:s8], $0x2800  }
0x15: {  	[sflag:s8] =	ssyncset.done $0x0  }
0x16: {  	[sflag:s8] =	ssyncadd.s32 $0xFFFFD800  }
0x17: {  	[tilespmem:s10], [sflag:$0x1] =	stream.linear.gather [hbm4b:s4+s2], $0x280, $0x38;
	[tilespmem:$0x5480] =	vst v63  }
0x18: {  	_ =	swait.ge [sflag:s8], $0x280  }
0x19: {  	[sflag:s8] =	ssyncset.done $0x0  }
0x1a: {  	s22 =	simm.s32 @!p0 $0x1C01;
	[sflag:s8] =	ssyncadd.s32 $0xFFFFFD80  }
0x1b: {  	[spmem:s11], [sflag:s22] =	dma.local @!p0 [hbm:s3], $0x500  }
0x1c: {  	s22 =	simm.s32 @!p0 $0x1  }
0x1d: {  	_ =	swait.ge @!p0 [sflag:s22], $0x500  }
0x1e: {  	[sflag:s22] =	ssyncset.done @!p0 $0x0  }
0x1f: {  	s23 =	simm.s32 $0x20;
	[sflag:s22] =	ssyncadd.s32 @!p0 $0xFFFFFB00;
	s22 =	simm.s32 $0xFFFFFFFC  }
.LBB2_2:
0x20: {  	v1 =	vld [tilespmem:s23+$0xFFFFFFE0];
	_ =	sdelay $0x7  }
0x21: {  	[tilespmem:v1+s9+$0x0] =	vst.idx.add.f32.msk $0xffff, v0  }
0x22: {  	v1 =	vld [tilespmem:s23+$0xFFFFFFF0];
	_ =	sdelay $0x7  }
0x23: {  	[tilespmem:v1+s9+$0x0] =	vst.idx.add.f32.msk $0xffff, v0  }
0x24: {  	v1 =	vld [tilespmem:s23+$0x0];
	_ =	sdelay $0x7  }
0x25: {  	[tilespmem:v1+s9+$0x0] =	vst.idx.add.f32.msk $0xffff, v0  }
0x26: {  	v1 =	vld [tilespmem:s23+$0x10];
	_ =	sdelay $0x1  }
0x27: {  	s22 =	sadd.s32 $0x4, s22  }
0x28: {  	p1 =	slt.u32 s22, $0x274  }
.Ltmp0:
0x29: {  	_ = 	snop;
	(pc) =	sbr.rel @p1 .LBB2_2-.Ltmp0, $2  }
0x2a: {  	_ =	sdelay $0x2  }
0x2b: {  	s23 =	sadd.s32 $0x40, s23;
	[tilespmem:v1+s9+$0x0] =	vst.idx.add.f32.msk $0xffff, v0  }
0x2c: {  	[bflag:$0x0] =	sbarrier.arrive $0xFFFF  }
0x2d: {  	[spmem:s1] =	stream.indirect.scatter.add.f32 [tilespmem:s9], [sflag:$0x1], $0x10, s10, s12, $0xb8;
	[tilespmem:$0x5480] =	vst v63  }
0x2e: {  	_ =	swait.ge [sflag:s8], $0x800  }
0x2f: {  	[sflag:s8] =	ssyncset.done $0x0  }
0x30: {  	[sflag:s8] =	ssyncadd.s32 $0xFFFFF800  }
0x31: {  	[spmem:s1] =	stream.indirect.scatter.add.f32 [tilespmem:s14], [sflag:$0x1], $0x10, s13, s12, $0xb8;
	[tilespmem:$0x5480] =	vst v63  }
0x32: {  	_ =	swait.ge [sflag:s8], $0x800  }
0x33: {  	[sflag:s8] =	ssyncset.done $0x0  }
0x34: {  	[sflag:s8] =	ssyncadd.s32 $0xFFFFF800  }
0x35: {  	[spmem:s1] =	stream.indirect.scatter.add.f32 [tilespmem:s16], [sflag:$0x1], $0x10, s15, s12, $0xb8;
	[tilespmem:$0x5480] =	vst v63  }
0x36: {  	_ =	swait.ge [sflag:s8], $0x800  }
0x37: {  	[sflag:s8] =	ssyncset.done $0x0  }
0x38: {  	[sflag:s8] =	ssyncadd.s32 $0xFFFFF800  }
0x39: {  	[spmem:s1] =	stream.indirect.scatter.add.f32 [tilespmem:s18], [sflag:$0x1], $0x10, s17, s12, $0xb8;
	[tilespmem:$0x5480] =	vst v63  }
0x3a: {  	_ =	swait.ge [sflag:s8], $0x800  }
0x3b: {  	[sflag:s8] =	ssyncset.done $0x0  }
0x3c: {  	[sflag:s8] =	ssyncadd.s32 $0xFFFFF800  }
0x3d: {  	[spmem:s1] =	stream.indirect.scatter.add.f32 [tilespmem:s20], [sflag:$0x1], $0x10, s19, s12, $0xb8;
	[tilespmem:$0x5480] =	vst v63  }
0x3e: {  	_ =	swait.ge [sflag:s8], $0x800  }
0x3f: {  	[sflag:s8] =	ssyncset.done $0x0  }
0x40: {  	s21 =	sadd.s32 $0x1, s21;
	[sflag:s8] =	ssyncadd.s32 $0xFFFFF800  }
0x41: {  	s22 =	simm.s32 @!p0 $0x1C01;
	p1 =	sne.s32 s21, s7;
	[bflag:$0x0] =	sbarrier.arrive $0xFFFF  }
0x42: {  	[hbm:s6], [sflag:s22] =	dma.local @!p0 [spmem:s11], $0x500  }
.Ltmp1:
0x43: {  	_ = 	snop;
	(pc) =	sbr.rel @p1 .LBB2_1-.Ltmp1, $4  }
0x44: {  	s22 =	simm.s32 @!p0 $0x1  }
0x45: {  	_ =	swait.ge @!p0 [sflag:s22], $0x500  }
0x46: {  	[sflag:s22] =	ssyncset.done @!p0 $0x0  }
0x47: {  	[sflag:s22] =	ssyncadd.s32 @!p0 $0xFFFFFB00  }
0x48: {  	_ =	sfence.sel $0x180000  }
0x49: {  	[bflag:$0x0] =	sbarrier.arrive $0xFFFF  }
0x4a: {  	_ =	strace $0x90000047  }
0x4b: {  	s0 =	sadd.s32 @!p0 $0x100000, s0;
	[bflag:$0x2] =	sbarrier.arrive $0xFFFF  }
0x4c: {  	[sflag:s0] =	ssyncadd.tile.s32 @!p0 $0x1;
	_ =	shalt  }
.Lfunc_end2:
_tile_overlayer_lowered:
.L_overlay_start_2:
0x4d: {  	(tag) =	ssettag $0x2  }
0x4e: {  	s0 =	rddreg [dreg:$0x0];
	s2 =	stileid.u32  }
0x4f: {  	s1 =	rddreg [dreg:$0x1];
	p0 =	sne.s32 s2, $0x0  }
0x50: {  	s3 =	rddreg [dreg:$0x2];
	[bflag:$0x3] =	sbarrier.arrive $0xFFFF;
	s2 =	simm.s32 @!p0 $0x1C01  }
0x51: {  	[timem:s3], [sflag:s2] =	dma.local @!p0 [hbm:s0], s1  }
0x52: {  	s0 =	simm.s32 @!p0 $0x1  }
0x53: {  	_ =	swait.ge @!p0 [sflag:s0], s1  }
0x54: {  	s1 =	ssub.s32 @!p0 $0x0, s1;
	[sflag:s0] =	ssyncset.done @!p0 $0x0  }
0x55: {  	[sflag:s0] =	ssyncadd.s32 @!p0 s1  }
0x56: {  	[bflag:$0x3] =	sbarrier.arrive $0xFFFF  }
0x57: {  	_ =	shalt  }

</sc_bundles>
